<compile_context>
chip_gen: v7x
topology: tpu7x:2x2x1
jax: 0.10.2.dev20260603
libtpu: 0.0.44.dev20260713+nightly
codegen_flags: <defaults>
</compile_context>

<pallas_src>
import functools

import jax
import jax.numpy as jnp
from jax import lax
from jax.experimental import pallas as pl
from jax.experimental.pallas import tpu as pltpu
from jax.experimental.pallas import tpu_sc as plsc

N_TOKENS = 16384
N_EMBED = 2048
N_EXPERTS = 64
K_TOP = 8

NC = 2
NS = 16
LANES = 16
NW = NC * NS

MM_BLK = 1024
SPLITS = (8192,)
TC_TAIL = 8192


def _matmul_body(x_ref, w_ref, b_ref, out_ref):
    out_ref[...] = (
        lax.dot_general(
            w_ref[...], x_ref[...],
            (((1,), (1,)), ((), ())),
            preferred_element_type=jnp.float32,
        )
        + b_ref[...]
    )


def _logits_t(x, W, b2, start_blk, nblk):
    return pl.pallas_call(
        _matmul_body,
        grid=(nblk,),
        in_specs=[
            pl.BlockSpec((MM_BLK, N_EMBED), lambda i: (start_blk + i, 0)),
            pl.BlockSpec((N_EXPERTS, N_EMBED), lambda i: (0, 0)),
            pl.BlockSpec((N_EXPERTS, 1), lambda i: (0, 0)),
        ],
        out_specs=pl.BlockSpec((N_EXPERTS, MM_BLK), lambda i: (0, i)),
        out_shape=jax.ShapeDtypeStruct((N_EXPERTS, nblk * MM_BLK), jnp.float32),
    )(x, W, b2)


def _mm_topk_body(x_ref, w_ref, b_ref, idx_ref, gates_ref):
    logits = (
        lax.dot_general(
            w_ref[...], x_ref[...],
            (((1,), (1,)), ((), ())),
            preferred_element_type=jnp.float32,
        )
        + b_ref[...]
    )
    row = lax.broadcasted_iota(jnp.int32, (N_EXPERTS, MM_BLK), 0)
    vals = logits
    tops = []
    for k in range(K_TOP):
        m = jnp.max(vals, axis=0)
        hit = vals == m[None, :]
        idx = jnp.min(jnp.where(hit, row, N_EXPERTS), axis=0)
        tops.append(m)
        idx_ref[k, :] = idx
        vals = jnp.where(row == idx[None, :], -jnp.inf, vals)
    t0 = tops[0]
    exps = [jnp.exp(t - t0) for t in tops]
    total = exps[0]
    for k in range(1, K_TOP):
        total = total + exps[k]
    inv = 1.0 / total
    for k in range(K_TOP):
        gates_ref[k, :] = exps[k] * inv


def _mm_topk(x, W, b2, start_blk, nblk):
    return pl.pallas_call(
        _mm_topk_body,
        grid=(nblk,),
        in_specs=[
            pl.BlockSpec((MM_BLK, N_EMBED), lambda i: (start_blk + i, 0)),
            pl.BlockSpec((N_EXPERTS, N_EMBED), lambda i: (0, 0)),
            pl.BlockSpec((N_EXPERTS, 1), lambda i: (0, 0)),
        ],
        out_specs=[
            pl.BlockSpec((K_TOP, MM_BLK), lambda i: (0, i)),
            pl.BlockSpec((K_TOP, MM_BLK), lambda i: (0, i)),
        ],
        out_shape=[
            jax.ShapeDtypeStruct((K_TOP, nblk * MM_BLK), jnp.int32),
            jax.ShapeDtypeStruct((K_TOP, nblk * MM_BLK), jnp.float32),
        ],
    )(x, W, b2)


def _make_topk_body(tok_w, n_groups):
    def _topk_body(logits_hbm, idx_hbm, gates_hbm, logits_v, idx_v, gates_v):
        wid = lax.axis_index("s") * NC + lax.axis_index("c")
        base = wid * tok_w
        pltpu.sync_copy(logits_hbm.at[:, pl.ds(base, tok_w)], logits_v)

        def group_body(c, _):
            off = c * LANES

            def expert_body(e, carry):
                s = list(carry[:K_TOP])
                ids = list(carry[K_TOP:])
                v = logits_v[e, pl.ds(off, LANES)]
                iv = jnp.full((LANES,), e, dtype=jnp.int32)
                for k in range(K_TOP):
                    m = v > s[k]
                    sv, si = s[k], ids[k]
                    s[k] = jnp.where(m, v, sv)
                    ids[k] = jnp.where(m, iv, si)
                    v = jnp.where(m, sv, v)
                    iv = jnp.where(m, si, iv)
                return tuple(s) + tuple(ids)

            neg = jnp.full((LANES,), -jnp.inf, dtype=jnp.float32)
            zero = jnp.zeros((LANES,), dtype=jnp.int32)
            init = (neg,) * K_TOP + (zero,) * K_TOP
            carry = lax.fori_loop(0, N_EXPERTS, expert_body, init)
            s = carry[:K_TOP]
            ids = carry[K_TOP:]

            exps = [jnp.exp(s[k] - s[0]) for k in range(K_TOP)]
            total = exps[0]
            for k in range(1, K_TOP):
                total = total + exps[k]
            inv = jnp.float32(1.0) / total
            for k in range(K_TOP):
                idx_v[k, pl.ds(off, LANES)] = ids[k]
                gates_v[k, pl.ds(off, LANES)] = exps[k] * inv
            return 0

        lax.fori_loop(0, n_groups, group_body, 0)
        pltpu.sync_copy(idx_v, idx_hbm.at[:, pl.ds(base, tok_w)])
        pltpu.sync_copy(gates_v, gates_hbm.at[:, pl.ds(base, tok_w)])

    return _topk_body


@functools.cache
def _topk_sc(chunk):
    tok_w = chunk // NW
    n_groups = tok_w // LANES
    return functools.partial(
        pl.kernel,
        out_type=(
            jax.ShapeDtypeStruct((K_TOP, chunk), jnp.int32),
            jax.ShapeDtypeStruct((K_TOP, chunk), jnp.float32),
        ),
        mesh=plsc.VectorSubcoreMesh(core_axis_name="c", subcore_axis_name="s",
                                    num_cores=NC, num_subcores=NS),
        scratch_types=[
            pltpu.VMEM((N_EXPERTS, tok_w), jnp.float32),
            pltpu.VMEM((K_TOP, tok_w), jnp.int32),
            pltpu.VMEM((K_TOP, tok_w), jnp.float32),
        ],
    )(_make_topk_body(tok_w, n_groups))


def kernel(x, W, b):
    b2 = b.reshape(N_EXPERTS, 1)
    idx_parts = []
    gate_parts = []
    off = 0
    for chunk in SPLITS:
        logits_t = _logits_t(x, W, b2, off // MM_BLK, chunk // MM_BLK)
        idx_c, gates_c = _topk_sc(chunk)(logits_t)
        idx_parts.append(idx_c.T)
        gate_parts.append(gates_c.T)
        off += chunk
    idx_c, gates_c = _mm_topk(x, W, b2, off // MM_BLK, TC_TAIL // MM_BLK)
    idx_parts.append(idx_c.T)
    gate_parts.append(gates_c.T)
    return (jnp.concatenate(idx_parts, axis=0),
            jnp.concatenate(gate_parts, axis=0))

# --- scband reference (transcript-rebuilt; emitter-appended) ---
"""Pipeline reference for scband-topk-router-26448408609432 (READ-ONLY COPY).

The authoritative reference and input builder live on the scoring server;
editing this copy changes nothing except your own understanding.
"""

import jax, jax.numpy as jnp
import numpy as np

N_EMBED = 2048
NUM_EXPERTS = 64
TOP_K = 8
N_TOKENS = 16384


def setup_inputs(seed: int = 0) -> dict:
    key = jax.random.key(seed)
    k1, k2, k3 = jax.random.split(key, 3)
    x = jax.random.normal(k1, (N_TOKENS, N_EMBED), dtype=jnp.float32)
    # nn.Linear params: weight [num_experts, n_embed], bias [num_experts]
    bound = 1.0 / np.sqrt(N_EMBED)
    W = jax.random.uniform(k2, (NUM_EXPERTS, N_EMBED), dtype=jnp.float32, minval=-bound, maxval=bound)
    b = jax.random.uniform(k3, (NUM_EXPERTS,), dtype=jnp.float32, minval=-bound, maxval=bound)
    return {"x": x, "W": W, "b": b}


def reference(x, W, b):
    # logits = self.linear(x)
    logits = x @ W.T + b
    # topk_logits, indices = logits.topk(self.k, dim=-1)
    topk_logits, indices = jax.lax.top_k(logits, TOP_K)
    # gates = torch.softmax(topk_logits, dim=-1)
    gates = jax.nn.softmax(topk_logits, axis=-1)
    return (indices, gates)

if __name__ == "__main__":
    import jax
    _d = setup_inputs()
    print(jax.jit(kernel)(*tuple(_d.values())))

</pallas_src>

<mosaic_0001>
#map = affine_map<(d0, d1) -> (0, 0)>
module attributes {stable_mosaic.version = 14 : i64} {
  func.func @_topk_body(%arg0: i32, %arg1: i32, %arg2: memref<64x8192xf32, #tpu.memory_space<hbm>>, %arg3: memref<8x8192xi32, #tpu.memory_space<hbm>>, %arg4: memref<8x8192xf32, #tpu.memory_space<hbm>>, %arg5: memref<64x256xf32, #tpu.memory_space<vmem>>, %arg6: memref<8x256xi32, #tpu.memory_space<vmem>>, %arg7: memref<8x256xf32, #tpu.memory_space<vmem>>) attributes {dimension_semantics = [#tpu.dimension_semantics<core_parallel>, #tpu.dimension_semantics<subcore_parallel>], iteration_bounds = array<i64: 2, 16>, scalar_prefetch = 0 : i64, scratch_operands = 3 : i64, tpu.core_type = #tpu.core_type<sc_vector_subcore>, window_params = [{transform_indices = #map}, {transform_indices = #map}, {transform_indices = #map}]} {
    %mul3A = arith.constant 2 : i32
    %mul3A_0 = arith.muli %arg1, %mul3A : i32
    %add3A = arith.addi %mul3A_0, %arg0 : i32
    %mul3A_1 = arith.constant 256 : i32
    %mul3A_2 = arith.muli %add3A, %mul3A_1 : i32
    "tpu.region"() ({
      %run_scoped3A = tpu.sem_alloc : memref<!tpu.dma_semaphore, #tpu.memory_space<semaphore_mem>>
      %dma_start3A = arith.constant 0 : i32
      %dma_start3A_9 = tpu.memref_slice %arg2[%dma_start3A, %mul3A_2] : memref<64x8192xf32, #tpu.memory_space<hbm>> -> memref<64x256xf32, #tpu.memory_space<hbm>>
      %dma_start3A_10 = arith.constant 0 : i32
      %dma_start3A_11 = tpu.memref_slice %arg2[%dma_start3A_10, %mul3A_2] : memref<64x8192xf32, #tpu.memory_space<hbm>> -> memref<64x256xf32, #tpu.memory_space<hbm>>
      tpu.enqueue_dma source(%dma_start3A_11 : memref<64x256xf32, #tpu.memory_space<hbm>>) target(%arg5 : memref<64x256xf32, #tpu.memory_space<vmem>>) target_semaphore(%run_scoped3A : memref<!tpu.dma_semaphore, #tpu.memory_space<semaphore_mem>>)
      %dma_wait3A = arith.constant 0 : i32
      %dma_wait3A_12 = tpu.memref_slice %arg2[%dma_wait3A, %mul3A_2] : memref<64x8192xf32, #tpu.memory_space<hbm>> -> memref<64x256xf32, #tpu.memory_space<hbm>>
      %dma_wait3A_13 = arith.constant 0 : i32
      %dma_wait3A_14 = tpu.memref_slice %arg2[%dma_wait3A_13, %mul3A_2] : memref<64x8192xf32, #tpu.memory_space<hbm>> -> memref<64x256xf32, #tpu.memory_space<hbm>>
      tpu.wait_dma2 semaphore(%run_scoped3A : memref<!tpu.dma_semaphore, #tpu.memory_space<semaphore_mem>>) src(%dma_wait3A_14 : memref<64x256xf32, #tpu.memory_space<hbm>>) dst(%arg5 : memref<64x256xf32, #tpu.memory_space<vmem>>)
      tpu.yield
    }) : () -> ()
    %scan3A = arith.constant 0 : i32
    %scan3A_3 = arith.constant 0 : i32
    %scan3A_4 = arith.constant 16 : i32
    %scan3A_5 = arith.addi %scan3A_3, %scan3A_4 : i32
    %scan3A_6 = arith.constant 1 : i32
    %scan3A_7 = scf.for %scan3A_9 = %scan3A_3 to %scan3A_5 step %scan3A_6 iter_args(%scan3A_10 = %scan3A) -> (i32)  : i32 {
      %mul3A_11 = arith.constant 16 : i32
      %mul3A_12 = arith.muli %scan3A_9, %mul3A_11 : i32
      %broadcast_in_dim3A = arith.constant 0xFF800000 : f32
      %broadcast_in_dim3A_13 = vector.broadcast %broadcast_in_dim3A : f32 to vector<16xf32>
      %broadcast_in_dim3A_14 = arith.constant 0 : i32
      %broadcast_in_dim3A_15 = vector.broadcast %broadcast_in_dim3A_14 : i32 to vector<16xi32>
      %scan3A_16 = arith.constant 0 : i32
      %scan3A_17 = arith.constant 64 : i32
      %scan3A_18 = arith.addi %scan3A_16, %scan3A_17 : i32
      %scan3A_19 = arith.constant 1 : i32
      %scan3A_20:16 = scf.for %scan3A_149 = %scan3A_16 to %scan3A_18 step %scan3A_19 iter_args(%scan3A_150 = %broadcast_in_dim3A_13, %scan3A_151 = %broadcast_in_dim3A_13, %scan3A_152 = %broadcast_in_dim3A_13, %scan3A_153 = %broadcast_in_dim3A_13, %scan3A_154 = %broadcast_in_dim3A_13, %scan3A_155 = %broadcast_in_dim3A_13, %scan3A_156 = %broadcast_in_dim3A_13, %scan3A_157 = %broadcast_in_dim3A_13, %scan3A_158 = %broadcast_in_dim3A_15, %scan3A_159 = %broadcast_in_dim3A_15, %scan3A_160 = %broadcast_in_dim3A_15, %scan3A_161 = %broadcast_in_dim3A_15, %scan3A_162 = %broadcast_in_dim3A_15, %scan3A_163 = %broadcast_in_dim3A_15, %scan3A_164 = %broadcast_in_dim3A_15, %scan3A_165 = %broadcast_in_dim3A_15) -> (vector<16xf32>, vector<16xf32>, vector<16xf32>, vector<16xf32>, vector<16xf32>, vector<16xf32>, vector<16xf32>, vector<16xf32>, vector<16xi32>, vector<16xi32>, vector<16xi32>, vector<16xi32>, vector<16xi32>, vector<16xi32>, vector<16xi32>, vector<16xi32>)  : i32 {
        %get3A = arith.index_cast %scan3A_149 : i32 to index
        %get3A_166 = arith.index_cast %mul3A_12 : i32 to index
        %get3A_167 = tpu.vector_load %arg5[%get3A, %get3A_166] {strides = array<i32>} : memref<64x256xf32, #tpu.memory_space<vmem>>, vector<1x16xf32>,
        %get3A_168 = vector.shape_cast %get3A_167 : vector<1x16xf32> to vector<16xf32>
        %broadcast_in_dim3A_169 = vector.broadcast %scan3A_149 : i32 to vector<16xi32>
        %gt3A = arith.cmpf ogt, %get3A_168, %scan3A_150 : vector<16xf32>
        %select_n3A = arith.select %gt3A, %get3A_168, %scan3A_150 : vector<16xi1>, vector<16xf32>
        %select_n3A_170 = arith.select %gt3A, %broadcast_in_dim3A_169, %scan3A_158 : vector<16xi1>, vector<16xi32>
        %select_n3A_171 = arith.select %gt3A, %scan3A_150, %get3A_168 : vector<16xi1>, vector<16xf32>
        %select_n3A_172 = arith.select %gt3A, %scan3A_158, %broadcast_in_dim3A_169 : vector<16xi1>, vector<16xi32>
        %gt3A_173 = arith.cmpf ogt, %select_n3A_171, %scan3A_151 : vector<16xf32>
        %select_n3A_174 = arith.select %gt3A_173, %select_n3A_171, %scan3A_151 : vector<16xi1>, vector<16xf32>
        %select_n3A_175 = arith.select %gt3A_173, %select_n3A_172, %scan3A_159 : vector<16xi1>, vector<16xi32>
        %select_n3A_176 = arith.select %gt3A_173, %scan3A_151, %select_n3A_171 : vector<16xi1>, vector<16xf32>
        %select_n3A_177 = arith.select %gt3A_173, %scan3A_159, %select_n3A_172 : vector<16xi1>, vector<16xi32>
        %gt3A_178 = arith.cmpf ogt, %select_n3A_176, %scan3A_152 : vector<16xf32>
        %select_n3A_179 = arith.select %gt3A_178, %select_n3A_176, %scan3A_152 : vector<16xi1>, vector<16xf32>
        %select_n3A_180 = arith.select %gt3A_178, %select_n3A_177, %scan3A_160 : vector<16xi1>, vector<16xi32>
        %select_n3A_181 = arith.select %gt3A_178, %scan3A_152, %select_n3A_176 : vector<16xi1>, vector<16xf32>
        %select_n3A_182 = arith.select %gt3A_178, %scan3A_160, %select_n3A_177 : vector<16xi1>, vector<16xi32>
        %gt3A_183 = arith.cmpf ogt, %select_n3A_181, %scan3A_153 : vector<16xf32>
        %select_n3A_184 = arith.select %gt3A_183, %select_n3A_181, %scan3A_153 : vector<16xi1>, vector<16xf32>
        %select_n3A_185 = arith.select %gt3A_183, %select_n3A_182, %scan3A_161 : vector<16xi1>, vector<16xi32>
        %select_n3A_186 = arith.select %gt3A_183, %scan3A_153, %select_n3A_181 : vector<16xi1>, vector<16xf32>
        %select_n3A_187 = arith.select %gt3A_183, %scan3A_161, %select_n3A_182 : vector<16xi1>, vector<16xi32>
        %gt3A_188 = arith.cmpf ogt, %select_n3A_186, %scan3A_154 : vector<16xf32>
        %select_n3A_189 = arith.select %gt3A_188, %select_n3A_186, %scan3A_154 : vector<16xi1>, vector<16xf32>
        %select_n3A_190 = arith.select %gt3A_188, %select_n3A_187, %scan3A_162 : vector<16xi1>, vector<16xi32>
        %select_n3A_191 = arith.select %gt3A_188, %scan3A_154, %select_n3A_186 : vector<16xi1>, vector<16xf32>
        %select_n3A_192 = arith.select %gt3A_188, %scan3A_162, %select_n3A_187 : vector<16xi1>, vector<16xi32>
        %gt3A_193 = arith.cmpf ogt, %select_n3A_191, %scan3A_155 : vector<16xf32>
        %select_n3A_194 = arith.select %gt3A_193, %select_n3A_191, %scan3A_155 : vector<16xi1>, vector<16xf32>
        %select_n3A_195 = arith.select %gt3A_193, %select_n3A_192, %scan3A_163 : vector<16xi1>, vector<16xi32>
        %select_n3A_196 = arith.select %gt3A_193, %scan3A_155, %select_n3A_191 : vector<16xi1>, vector<16xf32>
        %select_n3A_197 = arith.select %gt3A_193, %scan3A_163, %select_n3A_192 : vector<16xi1>, vector<16xi32>
        %gt3A_198 = arith.cmpf ogt, %select_n3A_196, %scan3A_156 : vector<16xf32>
        %select_n3A_199 = arith.select %gt3A_198, %select_n3A_196, %scan3A_156 : vector<16xi1>, vector<16xf32>
        %select_n3A_200 = arith.select %gt3A_198, %select_n3A_197, %scan3A_164 : vector<16xi1>, vector<16xi32>
        %select_n3A_201 = arith.select %gt3A_198, %scan3A_156, %select_n3A_196 : vector<16xi1>, vector<16xf32>
        %select_n3A_202 = arith.select %gt3A_198, %scan3A_164, %select_n3A_197 : vector<16xi1>, vector<16xi32>
        %gt3A_203 = arith.cmpf ogt, %select_n3A_201, %scan3A_157 : vector<16xf32>
        %select_n3A_204 = arith.select %gt3A_203, %select_n3A_201, %scan3A_157 : vector<16xi1>, vector<16xf32>
        %select_n3A_205 = arith.select %gt3A_203, %select_n3A_202, %scan3A_165 : vector<16xi1>, vector<16xi32>
        %select_n3A_206 = arith.select %gt3A_203, %scan3A_157, %select_n3A_201 : vector<16xi1>, vector<16xf32>
        %select_n3A_207 = arith.select %gt3A_203, %scan3A_165, %select_n3A_202 : vector<16xi1>, vector<16xi32>
        scf.yield %select_n3A, %select_n3A_174, %select_n3A_179, %select_n3A_184, %select_n3A_189, %select_n3A_194, %select_n3A_199, %select_n3A_204, %select_n3A_170, %select_n3A_175, %select_n3A_180, %select_n3A_185, %select_n3A_190, %select_n3A_195, %select_n3A_200, %select_n3A_205 : vector<16xf32>, vector<16xf32>, vector<16xf32>, vector<16xf32>, vector<16xf32>, vector<16xf32>, vector<16xf32>, vector<16xf32>, vector<16xi32>, vector<16xi32>, vector<16xi32>, vector<16xi32>, vector<16xi32>, vector<16xi32>, vector<16xi32>, vector<16xi32>
      }
      %scan3A_21 = arith.constant 64 : i32
      %sub3A = arith.subf %scan3A_20#0, %scan3A_20#0 : vector<16xf32>
      %exp3A = math.exp %sub3A : vector<16xf32>
      %sub3A_22 = arith.subf %scan3A_20#1, %scan3A_20#0 : vector<16xf32>
      %exp3A_23 = math.exp %sub3A_22 : vector<16xf32>
      %sub3A_24 = arith.subf %scan3A_20#2, %scan3A_20#0 : vector<16xf32>
      %exp3A_25 = math.exp %sub3A_24 : vector<16xf32>
      %sub3A_26 = arith.subf %scan3A_20#3, %scan3A_20#0 : vector<16xf32>
      %exp3A_27 = math.exp %sub3A_26 : vector<16xf32>
      %sub3A_28 = arith.subf %scan3A_20#4, %scan3A_20#0 : vector<16xf32>
      %exp3A_29 = math.exp %sub3A_28 : vector<16xf32>
      %sub3A_30 = arith.subf %scan3A_20#5, %scan3A_20#0 : vector<16xf32>
      %exp3A_31 = math.exp %sub3A_30 : vector<16xf32>
      %sub3A_32 = arith.subf %scan3A_20#6, %scan3A_20#0 : vector<16xf32>
      %exp3A_33 = math.exp %sub3A_32 : vector<16xf32>
      %sub3A_34 = arith.subf %scan3A_20#7, %scan3A_20#0 : vector<16xf32>
      %exp3A_35 = math.exp %sub3A_34 : vector<16xf32>
      %add3A_36 = arith.addf %exp3A, %exp3A_23 : vector<16xf32>
      %add3A_37 = arith.addf %add3A_36, %exp3A_25 : vector<16xf32>
      %add3A_38 = arith.addf %add3A_37, %exp3A_27 : vector<16xf32>
      %add3A_39 = arith.addf %add3A_38, %exp3A_29 : vector<16xf32>
      %add3A_40 = arith.addf %add3A_39, %exp3A_31 : vector<16xf32>
      %add3A_41 = arith.addf %add3A_40, %exp3A_33 : vector<16xf32>
      %add3A_42 = arith.addf %add3A_41, %exp3A_35 : vector<16xf32>
      %div3A = arith.constant 1.000000e+00 : f32
      %div3A_43 = vector.broadcast %div3A : f32 to vector<16xf32>
      %div3A_44 = arith.divf %div3A_43, %add3A_42 : vector<16xf32>
      %swap3A = arith.constant 0 : i32
      %swap3A_45 = arith.index_cast %swap3A : i32 to index
      %swap3A_46 = arith.index_cast %mul3A_12 : i32 to index
      %swap3A_47 = tpu.vector_load %arg6[%swap3A_45, %swap3A_46] {strides = array<i32>} : memref<8x256xi32, #tpu.memory_space<vmem>>, vector<1x16xi32>,
      %swap3A_48 = vector.shape_cast %swap3A_47 : vector<1x16xi32> to vector<16xi32>
      %swap3A_49 = vector.shape_cast %scan3A_20#8 : vector<16xi32> to vector<1x16xi32>
      tpu.vector_store %arg6[%swap3A_45, %swap3A_46], %swap3A_49 {strides = array<i32>} : memref<8x256xi32, #tpu.memory_space<vmem>>, vector<1x16xi32>,
      %mul3A_50 = arith.mulf %exp3A, %div3A_44 : vector<16xf32>
      %swap3A_51 = arith.constant 0 : i32
      %swap3A_52 = arith.index_cast %swap3A_51 : i32 to index
      %swap3A_53 = arith.index_cast %mul3A_12 : i32 to index
      %swap3A_54 = tpu.vector_load %arg7[%swap3A_52, %swap3A_53] {strides = array<i32>} : memref<8x256xf32, #tpu.memory_space<vmem>>, vector<1x16xf32>,
      %swap3A_55 = vector.shape_cast %swap3A_54 : vector<1x16xf32> to vector<16xf32>
      %swap3A_56 = vector.shape_cast %mul3A_50 : vector<16xf32> to vector<1x16xf32>
      tpu.vector_store %arg7[%swap3A_52, %swap3A_53], %swap3A_56 {strides = array<i32>} : memref<8x256xf32, #tpu.memory_space<vmem>>, vector<1x16xf32>,
      %swap3A_57 = arith.constant 1 : i32
      %swap3A_58 = arith.index_cast %swap3A_57 : i32 to index
      %swap3A_59 = arith.index_cast %mul3A_12 : i32 to index
      %swap3A_60 = tpu.vector_load %arg6[%swap3A_58, %swap3A_59] {strides = array<i32>} : memref<8x256xi32, #tpu.memory_space<vmem>>, vector<1x16xi32>,
      %swap3A_61 = vector.shape_cast %swap3A_60 : vector<1x16xi32> to vector<16xi32>
      %swap3A_62 = vector.shape_cast %scan3A_20#9 : vector<16xi32> to vector<1x16xi32>
      tpu.vector_store %arg6[%swap3A_58, %swap3A_59], %swap3A_62 {strides = array<i32>} : memref<8x256xi32, #tpu.memory_space<vmem>>, vector<1x16xi32>,
      %mul3A_63 = arith.mulf %exp3A_23, %div3A_44 : vector<16xf32>
      %swap3A_64 = arith.constant 1 : i32
      %swap3A_65 = arith.index_cast %swap3A_64 : i32 to index
      %swap3A_66 = arith.index_cast %mul3A_12 : i32 to index
      %swap3A_67 = tpu.vector_load %arg7[%swap3A_65, %swap3A_66] {strides = array<i32>} : memref<8x256xf32, #tpu.memory_space<vmem>>, vector<1x16xf32>,
      %swap3A_68 = vector.shape_cast %swap3A_67 : vector<1x16xf32> to vector<16xf32>
      %swap3A_69 = vector.shape_cast %mul3A_63 : vector<16xf32> to vector<1x16xf32>
      tpu.vector_store %arg7[%swap3A_65, %swap3A_66], %swap3A_69 {strides = array<i32>} : memref<8x256xf32, #tpu.memory_space<vmem>>, vector<1x16xf32>,
      %swap3A_70 = arith.constant 2 : i32
      %swap3A_71 = arith.index_cast %swap3A_70 : i32 to index
      %swap3A_72 = arith.index_cast %mul3A_12 : i32 to index
      %swap3A_73 = tpu.vector_load %arg6[%swap3A_71, %swap3A_72] {strides = array<i32>} : memref<8x256xi32, #tpu.memory_space<vmem>>, vector<1x16xi32>,
      %swap3A_74 = vector.shape_cast %swap3A_73 : vector<1x16xi32> to vector<16xi32>
      %swap3A_75 = vector.shape_cast %scan3A_20#10 : vector<16xi32> to vector<1x16xi32>
      tpu.vector_store %arg6[%swap3A_71, %swap3A_72], %swap3A_75 {strides = array<i32>} : memref<8x256xi32, #tpu.memory_space<vmem>>, vector<1x16xi32>,
      %mul3A_76 = arith.mulf %exp3A_25, %div3A_44 : vector<16xf32>
      %swap3A_77 = arith.constant 2 : i32
      %swap3A_78 = arith.index_cast %swap3A_77 : i32 to index
      %swap3A_79 = arith.index_cast %mul3A_12 : i32 to index
      %swap3A_80 = tpu.vector_load %arg7[%swap3A_78, %swap3A_79] {strides = array<i32>} : memref<8x256xf32, #tpu.memory_space<vmem>>, vector<1x16xf32>,
      %swap3A_81 = vector.shape_cast %swap3A_80 : vector<1x16xf32> to vector<16xf32>
      %swap3A_82 = vector.shape_cast %mul3A_76 : vector<16xf32> to vector<1x16xf32>
      tpu.vector_store %arg7[%swap3A_78, %swap3A_79], %swap3A_82 {strides = array<i32>} : memref<8x256xf32, #tpu.memory_space<vmem>>, vector<1x16xf32>,
      %swap3A_83 = arith.constant 3 : i32
      %swap3A_84 = arith.index_cast %swap3A_83 : i32 to index
      %swap3A_85 = arith.index_cast %mul3A_12 : i32 to index
      %swap3A_86 = tpu.vector_load %arg6[%swap3A_84, %swap3A_85] {strides = array<i32>} : memref<8x256xi32, #tpu.memory_space<vmem>>, vector<1x16xi32>,
      %swap3A_87 = vector.shape_cast %swap3A_86 : vector<1x16xi32> to vector<16xi32>
      %swap3A_88 = vector.shape_cast %scan3A_20#11 : vector<16xi32> to vector<1x16xi32>
      tpu.vector_store %arg6[%swap3A_84, %swap3A_85], %swap3A_88 {strides = array<i32>} : memref<8x256xi32, #tpu.memory_space<vmem>>, vector<1x16xi32>,
      %mul3A_89 = arith.mulf %exp3A_27, %div3A_44 : vector<16xf32>
      %swap3A_90 = arith.constant 3 : i32
      %swap3A_91 = arith.index_cast %swap3A_90 : i32 to index
      %swap3A_92 = arith.index_cast %mul3A_12 : i32 to index
      %swap3A_93 = tpu.vector_load %arg7[%swap3A_91, %swap3A_92] {strides = array<i32>} : memref<8x256xf32, #tpu.memory_space<vmem>>, vector<1x16xf32>,
      %swap3A_94 = vector.shape_cast %swap3A_93 : vector<1x16xf32> to vector<16xf32>
      %swap3A_95 = vector.shape_cast %mul3A_89 : vector<16xf32> to vector<1x16xf32>
      tpu.vector_store %arg7[%swap3A_91, %swap3A_92], %swap3A_95 {strides = array<i32>} : memref<8x256xf32, #tpu.memory_space<vmem>>, vector<1x16xf32>,
      %swap3A_96 = arith.constant 4 : i32
      %swap3A_97 = arith.index_cast %swap3A_96 : i32 to index
      %swap3A_98 = arith.index_cast %mul3A_12 : i32 to index
      %swap3A_99 = tpu.vector_load %arg6[%swap3A_97, %swap3A_98] {strides = array<i32>} : memref<8x256xi32, #tpu.memory_space<vmem>>, vector<1x16xi32>,
      %swap3A_100 = vector.shape_cast %swap3A_99 : vector<1x16xi32> to vector<16xi32>
      %swap3A_101 = vector.shape_cast %scan3A_20#12 : vector<16xi32> to vector<1x16xi32>
      tpu.vector_store %arg6[%swap3A_97, %swap3A_98], %swap3A_101 {strides = array<i32>} : memref<8x256xi32, #tpu.memory_space<vmem>>, vector<1x16xi32>,
      %mul3A_102 = arith.mulf %exp3A_29, %div3A_44 : vector<16xf32>
      %swap3A_103 = arith.constant 4 : i32
      %swap3A_104 = arith.index_cast %swap3A_103 : i32 to index
      %swap3A_105 = arith.index_cast %mul3A_12 : i32 to index
      %swap3A_106 = tpu.vector_load %arg7[%swap3A_104, %swap3A_105] {strides = array<i32>} : memref<8x256xf32, #tpu.memory_space<vmem>>, vector<1x16xf32>,
      %swap3A_107 = vector.shape_cast %swap3A_106 : vector<1x16xf32> to vector<16xf32>
      %swap3A_108 = vector.shape_cast %mul3A_102 : vector<16xf32> to vector<1x16xf32>
      tpu.vector_store %arg7[%swap3A_104, %swap3A_105], %swap3A_108 {strides = array<i32>} : memref<8x256xf32, #tpu.memory_space<vmem>>, vector<1x16xf32>,
      %swap3A_109 = arith.constant 5 : i32
      %swap3A_110 = arith.index_cast %swap3A_109 : i32 to index
      %swap3A_111 = arith.index_cast %mul3A_12 : i32 to index
      %swap3A_112 = tpu.vector_load %arg6[%swap3A_110, %swap3A_111] {strides = array<i32>} : memref<8x256xi32, #tpu.memory_space<vmem>>, vector<1x16xi32>,
      %swap3A_113 = vector.shape_cast %swap3A_112 : vector<1x16xi32> to vector<16xi32>
      %swap3A_114 = vector.shape_cast %scan3A_20#13 : vector<16xi32> to vector<1x16xi32>
      tpu.vector_store %arg6[%swap3A_110, %swap3A_111], %swap3A_114 {strides = array<i32>} : memref<8x256xi32, #tpu.memory_space<vmem>>, vector<1x16xi32>,
      %mul3A_115 = arith.mulf %exp3A_31, %div3A_44 : vector<16xf32>
      %swap3A_116 = arith.constant 5 : i32
      %swap3A_117 = arith.index_cast %swap3A_116 : i32 to index
      %swap3A_118 = arith.index_cast %mul3A_12 : i32 to index
      %swap3A_119 = tpu.vector_load %arg7[%swap3A_117, %swap3A_118] {strides = array<i32>} : memref<8x256xf32, #tpu.memory_space<vmem>>, vector<1x16xf32>,
      %swap3A_120 = vector.shape_cast %swap3A_119 : vector<1x16xf32> to vector<16xf32>
      %swap3A_121 = vector.shape_cast %mul3A_115 : vector<16xf32> to vector<1x16xf32>
      tpu.vector_store %arg7[%swap3A_117, %swap3A_118], %swap3A_121 {strides = array<i32>} : memref<8x256xf32, #tpu.memory_space<vmem>>, vector<1x16xf32>,
      %swap3A_122 = arith.constant 6 : i32
      %swap3A_123 = arith.index_cast %swap3A_122 : i32 to index
      %swap3A_124 = arith.index_cast %mul3A_12 : i32 to index
      %swap3A_125 = tpu.vector_load %arg6[%swap3A_123, %swap3A_124] {strides = array<i32>} : memref<8x256xi32, #tpu.memory_space<vmem>>, vector<1x16xi32>,
      %swap3A_126 = vector.shape_cast %swap3A_125 : vector<1x16xi32> to vector<16xi32>
      %swap3A_127 = vector.shape_cast %scan3A_20#14 : vector<16xi32> to vector<1x16xi32>
      tpu.vector_store %arg6[%swap3A_123, %swap3A_124], %swap3A_127 {strides = array<i32>} : memref<8x256xi32, #tpu.memory_space<vmem>>, vector<1x16xi32>,
      %mul3A_128 = arith.mulf %exp3A_33, %div3A_44 : vector<16xf32>
      %swap3A_129 = arith.constant 6 : i32
      %swap3A_130 = arith.index_cast %swap3A_129 : i32 to index
      %swap3A_131 = arith.index_cast %mul3A_12 : i32 to index
      %swap3A_132 = tpu.vector_load %arg7[%swap3A_130, %swap3A_131] {strides = array<i32>} : memref<8x256xf32, #tpu.memory_space<vmem>>, vector<1x16xf32>,
      %swap3A_133 = vector.shape_cast %swap3A_132 : vector<1x16xf32> to vector<16xf32>
      %swap3A_134 = vector.shape_cast %mul3A_128 : vector<16xf32> to vector<1x16xf32>
      tpu.vector_store %arg7[%swap3A_130, %swap3A_131], %swap3A_134 {strides = array<i32>} : memref<8x256xf32, #tpu.memory_space<vmem>>, vector<1x16xf32>,
      %swap3A_135 = arith.constant 7 : i32
      %swap3A_136 = arith.index_cast %swap3A_135 : i32 to index
      %swap3A_137 = arith.index_cast %mul3A_12 : i32 to index
      %swap3A_138 = tpu.vector_load %arg6[%swap3A_136, %swap3A_137] {strides = array<i32>} : memref<8x256xi32, #tpu.memory_space<vmem>>, vector<1x16xi32>,
      %swap3A_139 = vector.shape_cast %swap3A_138 : vector<1x16xi32> to vector<16xi32>
      %swap3A_140 = vector.shape_cast %scan3A_20#15 : vector<16xi32> to vector<1x16xi32>
      tpu.vector_store %arg6[%swap3A_136, %swap3A_137], %swap3A_140 {strides = array<i32>} : memref<8x256xi32, #tpu.memory_space<vmem>>, vector<1x16xi32>,
      %mul3A_141 = arith.mulf %exp3A_35, %div3A_44 : vector<16xf32>
      %swap3A_142 = arith.constant 7 : i32
      %swap3A_143 = arith.index_cast %swap3A_142 : i32 to index
      %swap3A_144 = arith.index_cast %mul3A_12 : i32 to index
      %swap3A_145 = tpu.vector_load %arg7[%swap3A_143, %swap3A_144] {strides = array<i32>} : memref<8x256xf32, #tpu.memory_space<vmem>>, vector<1x16xf32>,
      %swap3A_146 = vector.shape_cast %swap3A_145 : vector<1x16xf32> to vector<16xf32>
      %swap3A_147 = vector.shape_cast %mul3A_141 : vector<16xf32> to vector<1x16xf32>
      tpu.vector_store %arg7[%swap3A_143, %swap3A_144], %swap3A_147 {strides = array<i32>} : memref<8x256xf32, #tpu.memory_space<vmem>>, vector<1x16xf32>,
      %scan3A_148 = arith.constant 0 : i32
      scf.yield %scan3A_148 : i32
    }
    %scan3A_8 = arith.constant 16 : i32
    "tpu.region"() ({
      %run_scoped3A = tpu.sem_alloc : memref<!tpu.dma_semaphore, #tpu.memory_space<semaphore_mem>>
      %dma_start3A = arith.constant 0 : i32
      %dma_start3A_9 = tpu.memref_slice %arg3[%dma_start3A, %mul3A_2] : memref<8x8192xi32, #tpu.memory_space<hbm>> -> memref<8x256xi32, #tpu.memory_space<hbm>>
      %dma_start3A_10 = arith.constant 0 : i32
      %dma_start3A_11 = tpu.memref_slice %arg3[%dma_start3A_10, %mul3A_2] : memref<8x8192xi32, #tpu.memory_space<hbm>> -> memref<8x256xi32, #tpu.memory_space<hbm>>
      tpu.enqueue_dma source(%arg6 : memref<8x256xi32, #tpu.memory_space<vmem>>) target(%dma_start3A_11 : memref<8x256xi32, #tpu.memory_space<hbm>>) target_semaphore(%run_scoped3A : memref<!tpu.dma_semaphore, #tpu.memory_space<semaphore_mem>>)
      %dma_wait3A = arith.constant 0 : i32
      %dma_wait3A_12 = tpu.memref_slice %arg3[%dma_wait3A, %mul3A_2] : memref<8x8192xi32, #tpu.memory_space<hbm>> -> memref<8x256xi32, #tpu.memory_space<hbm>>
      %dma_wait3A_13 = arith.constant 0 : i32
      %dma_wait3A_14 = tpu.memref_slice %arg3[%dma_wait3A_13, %mul3A_2] : memref<8x8192xi32, #tpu.memory_space<hbm>> -> memref<8x256xi32, #tpu.memory_space<hbm>>
      tpu.wait_dma2 semaphore(%run_scoped3A : memref<!tpu.dma_semaphore, #tpu.memory_space<semaphore_mem>>) src(%arg6 : memref<8x256xi32, #tpu.memory_space<vmem>>) dst(%dma_wait3A_14 : memref<8x256xi32, #tpu.memory_space<hbm>>)
      tpu.yield
    }) : () -> ()
    "tpu.region"() ({
      %run_scoped3A = tpu.sem_alloc : memref<!tpu.dma_semaphore, #tpu.memory_space<semaphore_mem>>
      %dma_start3A = arith.constant 0 : i32
      %dma_start3A_9 = tpu.memref_slice %arg4[%dma_start3A, %mul3A_2] : memref<8x8192xf32, #tpu.memory_space<hbm>> -> memref<8x256xf32, #tpu.memory_space<hbm>>
      %dma_start3A_10 = arith.constant 0 : i32
      %dma_start3A_11 = tpu.memref_slice %arg4[%dma_start3A_10, %mul3A_2] : memref<8x8192xf32, #tpu.memory_space<hbm>> -> memref<8x256xf32, #tpu.memory_space<hbm>>
      tpu.enqueue_dma source(%arg7 : memref<8x256xf32, #tpu.memory_space<vmem>>) target(%dma_start3A_11 : memref<8x256xf32, #tpu.memory_space<hbm>>) target_semaphore(%run_scoped3A : memref<!tpu.dma_semaphore, #tpu.memory_space<semaphore_mem>>)
      %dma_wait3A = arith.constant 0 : i32
      %dma_wait3A_12 = tpu.memref_slice %arg4[%dma_wait3A, %mul3A_2] : memref<8x8192xf32, #tpu.memory_space<hbm>> -> memref<8x256xf32, #tpu.memory_space<hbm>>
      %dma_wait3A_13 = arith.constant 0 : i32
      %dma_wait3A_14 = tpu.memref_slice %arg4[%dma_wait3A_13, %mul3A_2] : memref<8x8192xf32, #tpu.memory_space<hbm>> -> memref<8x256xf32, #tpu.memory_space<hbm>>
      tpu.wait_dma2 semaphore(%run_scoped3A : memref<!tpu.dma_semaphore, #tpu.memory_space<semaphore_mem>>) src(%arg7 : memref<8x256xf32, #tpu.memory_space<vmem>>) dst(%dma_wait3A_14 : memref<8x256xf32, #tpu.memory_space<hbm>>)
      tpu.yield
    }) : () -> ()
    return
  }
}

module attributes {stable_mosaic.version = 14 : i64} {
  func.func @_matmul_body(%arg0: i32, %arg1: memref<1024x2048xf32, #tpu.memory_space<vmem>>, %arg2: memref<64x2048xf32, #tpu.memory_space<vmem>>, %arg3: memref<64x1xf32, #tpu.memory_space<vmem>>, %arg4: memref<64x1024xf32, #tpu.memory_space<vmem>>) attributes {dimension_semantics = [#tpu.dimension_semantics<arbitrary>], iteration_bounds = array<i64: 8>, scalar_prefetch = 0 : i64, scratch_operands = 0 : i64, tpu.core_type = #tpu.core_type<tc>, window_params = [{transform_indices = @transform_0, window_bounds = array<i64: 1024, 2048>}, {pipeline_mode = #tpu.pipeline_mode<synchronous>, transform_indices = @transform_1, window_bounds = array<i64: 64, 2048>}, {pipeline_mode = #tpu.pipeline_mode<synchronous>, transform_indices = @transform_2, window_bounds = array<i64: 64, 1>}, {transform_indices = @transform_3, window_bounds = array<i64: 64, 1024>}]} {
    %get3A = arith.constant 0 : index
    %get3A_0 = arith.constant 0 : index
    %get3A_1 = vector.load %arg2[%get3A, %get3A_0] : memref<64x2048xf32, #tpu.memory_space<vmem>>, vector<64x2048xf32>
    %get3A_2 = arith.constant 0 : index
    %get3A_3 = arith.constant 0 : index
    %get3A_4 = vector.load %arg1[%get3A_2, %get3A_3] : memref<1024x2048xf32, #tpu.memory_space<vmem>>, vector<1024x2048xf32>
    %dot_general3A = arith.constant dense<0.000000e+00> : vector<64x1024xf32>
    %dot_general3A_5 = tpu.matmul %get3A_1, %get3A_4, %dot_general3A {dimension_numbers = #tpu.dot_dimension_numbers<[1], [1], [0], [0], [0, 0, 1, 0], [], []>, transpose_lhs_hint = false} : vector<64x2048xf32>, vector<1024x2048xf32>, vector<64x1024xf32> -> vector<64x1024xf32>
    %get3A_6 = arith.constant 0 : index
    %get3A_7 = arith.constant 0 : index
    %get3A_8 = vector.load %arg3[%get3A_6, %get3A_7] : memref<64x1xf32, #tpu.memory_space<vmem>>, vector<64x1xf32>
    %add3A = vector.broadcast %get3A_8 : vector<64x1xf32> to vector<64x1024xf32>
    %add3A_9 = arith.addf %dot_general3A_5, %add3A : vector<64x1024xf32>
    %swap3A = arith.constant 0 : index
    %swap3A_10 = arith.constant 0 : index
    %swap3A_11 = vector.load %arg4[%swap3A, %swap3A_10] : memref<64x1024xf32, #tpu.memory_space<vmem>>, vector<64x1024xf32>
    tpu.vector_store %arg4[%swap3A, %swap3A_10], %add3A_9 {strides = array<i32>} : memref<64x1024xf32, #tpu.memory_space<vmem>>, vector<64x1024xf32>,
    return
  }
  func.func @transform_0(%arg0: i32) -> (i32, i32) {
    %add3A = arith.constant 0 : i32
    %add3A_0 = arith.addi %add3A, %arg0 : i32
    %c0_i32 = arith.constant 0 : i32
    %c0_i32_1 = arith.constant 0 : i32
    return %add3A_0, %c0_i32 : i32, i32
  }
  func.func @transform_1(%arg0: i32) -> (i32, i32) {
    %c0_i32 = arith.constant 0 : i32
    %c0_i32_0 = arith.constant 0 : i32
    %c0_i32_1 = arith.constant 0 : i32
    return %c0_i32, %c0_i32_0 : i32, i32
  }
  func.func @transform_2(%arg0: i32) -> (i32, i32) {
    %c0_i32 = arith.constant 0 : i32
    %c0_i32_0 = arith.constant 0 : i32
    %c0_i32_1 = arith.constant 0 : i32
    return %c0_i32, %c0_i32_0 : i32, i32
  }
  func.func @transform_3(%arg0: i32) -> (i32, i32) {
    %c0_i32 = arith.constant 0 : i32
    %c0_i32_0 = arith.constant 0 : i32
    return %c0_i32, %arg0 : i32, i32
  }
}

module attributes {stable_mosaic.version = 14 : i64} {
  func.func @_mm_topk_body(%arg0: i32, %arg1: memref<1024x2048xf32, #tpu.memory_space<vmem>>, %arg2: memref<64x2048xf32, #tpu.memory_space<vmem>>, %arg3: memref<64x1xf32, #tpu.memory_space<vmem>>, %arg4: memref<8x1024xi32, #tpu.memory_space<vmem>>, %arg5: memref<8x1024xf32, #tpu.memory_space<vmem>>) attributes {dimension_semantics = [#tpu.dimension_semantics<arbitrary>], iteration_bounds = array<i64: 8>, scalar_prefetch = 0 : i64, scratch_operands = 0 : i64, tpu.core_type = #tpu.core_type<tc>, window_params = [{transform_indices = @transform_0, window_bounds = array<i64: 1024, 2048>}, {pipeline_mode = #tpu.pipeline_mode<synchronous>, transform_indices = @transform_1, window_bounds = array<i64: 64, 2048>}, {pipeline_mode = #tpu.pipeline_mode<synchronous>, transform_indices = @transform_2, window_bounds = array<i64: 64, 1>}, {transform_indices = @transform_3, window_bounds = array<i64: 8, 1024>}, {transform_indices = @transform_4, window_bounds = array<i64: 8, 1024>}]} {
    %get3A = arith.constant 0 : index
    %get3A_0 = arith.constant 0 : index
    %get3A_1 = vector.load %arg2[%get3A, %get3A_0] : memref<64x2048xf32, #tpu.memory_space<vmem>>, vector<64x2048xf32>
    %get3A_2 = arith.constant 0 : index
    %get3A_3 = arith.constant 0 : index
    %get3A_4 = vector.load %arg1[%get3A_2, %get3A_3] : memref<1024x2048xf32, #tpu.memory_space<vmem>>, vector<1024x2048xf32>
    %dot_general3A = arith.constant dense<0.000000e+00> : vector<64x1024xf32>
    %dot_general3A_5 = tpu.matmul %get3A_1, %get3A_4, %dot_general3A {dimension_numbers = #tpu.dot_dimension_numbers<[1], [1], [0], [0], [0, 0, 1, 0], [], []>, transpose_lhs_hint = false} : vector<64x2048xf32>, vector<1024x2048xf32>, vector<64x1024xf32> -> vector<64x1024xf32>
    %get3A_6 = arith.constant 0 : index
    %get3A_7 = arith.constant 0 : index
    %get3A_8 = vector.load %arg3[%get3A_6, %get3A_7] : memref<64x1xf32, #tpu.memory_space<vmem>>, vector<64x1xf32>
    %add3A = vector.broadcast %get3A_8 : vector<64x1xf32> to vector<64x1024xf32>
    %add3A_9 = arith.addf %dot_general3A_5, %add3A : vector<64x1024xf32>
    %iota3A = tpu.iota {dimensions = array<i32: 0>} : vector<64x1024xi32>
    %reduce_max3A = arith.constant dense<0xFF800000> : vector<1024xf32>
    %reduce_max3A_10 = vector.multi_reduction <maximumf>, %add3A_9, %reduce_max3A [0] : vector<64x1024xf32> to vector<1024xf32>
    %broadcast_in_dim3A = vector.shape_cast %reduce_max3A_10 : vector<1024xf32> to vector<1x1024xf32>
    %eq3A = vector.broadcast %broadcast_in_dim3A : vector<1x1024xf32> to vector<64x1024xf32>
    %eq3A_11 = arith.cmpf oeq, %add3A_9, %eq3A : vector<64x1024xf32>
    %jit3A = arith.constant 64 : i32
    %broadcast_in_dim3A_12 = vector.broadcast %jit3A : i32 to vector<64x1024xi32>
    %select_n3A = arith.select %eq3A_11, %iota3A, %broadcast_in_dim3A_12 : vector<64x1024xi1>, vector<64x1024xi32>
    %reduce_min3A = arith.constant dense<2147483647> : vector<1024xi32>
    %reduce_min3A_13 = vector.multi_reduction <minsi>, %select_n3A, %reduce_min3A [0] : vector<64x1024xi32> to vector<1024xi32>
    %swap3A = arith.constant 0 : index
    %swap3A_14 = arith.constant 0 : index
    %swap3A_15 = vector.load %arg4[%swap3A, %swap3A_14] : memref<8x1024xi32, #tpu.memory_space<vmem>>, vector<1x1024xi32>
    %swap3A_16 = vector.shape_cast %swap3A_15 : vector<1x1024xi32> to vector<1024xi32>
    %swap3A_17 = vector.shape_cast %reduce_min3A_13 : vector<1024xi32> to vector<1x1024xi32>
    tpu.vector_store %arg4[%swap3A, %swap3A_14], %swap3A_17 {strides = array<i32>} : memref<8x1024xi32, #tpu.memory_space<vmem>>, vector<1x1024xi32>,
    %broadcast_in_dim3A_18 = vector.shape_cast %reduce_min3A_13 : vector<1024xi32> to vector<1x1024xi32>
    %eq3A_19 = vector.broadcast %broadcast_in_dim3A_18 : vector<1x1024xi32> to vector<64x1024xi32>
    %eq3A_20 = arith.cmpi eq, %iota3A, %eq3A_19 : vector<64x1024xi32>
    %jit3A_21 = arith.constant 0xFF800000 : f32
    %broadcast_in_dim3A_22 = vector.broadcast %jit3A_21 : f32 to vector<64x1024xf32>
    %select_n3A_23 = arith.select %eq3A_20, %broadcast_in_dim3A_22, %add3A_9 : vector<64x1024xi1>, vector<64x1024xf32>
    %reduce_max3A_24 = arith.constant dense<0xFF800000> : vector<1024xf32>
    %reduce_max3A_25 = vector.multi_reduction <maximumf>, %select_n3A_23, %reduce_max3A_24 [0] : vector<64x1024xf32> to vector<1024xf32>
    %broadcast_in_dim3A_26 = vector.shape_cast %reduce_max3A_25 : vector<1024xf32> to vector<1x1024xf32>
    %eq3A_27 = vector.broadcast %broadcast_in_dim3A_26 : vector<1x1024xf32> to vector<64x1024xf32>
    %eq3A_28 = arith.cmpf oeq, %select_n3A_23, %eq3A_27 : vector<64x1024xf32>
    %jit3A_29 = arith.constant 64 : i32
    %broadcast_in_dim3A_30 = vector.broadcast %jit3A_29 : i32 to vector<64x1024xi32>
    %select_n3A_31 = arith.select %eq3A_28, %iota3A, %broadcast_in_dim3A_30 : vector<64x1024xi1>, vector<64x1024xi32>
    %reduce_min3A_32 = arith.constant dense<2147483647> : vector<1024xi32>
    %reduce_min3A_33 = vector.multi_reduction <minsi>, %select_n3A_31, %reduce_min3A_32 [0] : vector<64x1024xi32> to vector<1024xi32>
    %swap3A_34 = arith.constant 1 : index
    %swap3A_35 = arith.constant 0 : index
    %swap3A_36 = vector.load %arg4[%swap3A_34, %swap3A_35] : memref<8x1024xi32, #tpu.memory_space<vmem>>, vector<1x1024xi32>
    %swap3A_37 = vector.shape_cast %swap3A_36 : vector<1x1024xi32> to vector<1024xi32>
    %swap3A_38 = vector.shape_cast %reduce_min3A_33 : vector<1024xi32> to vector<1x1024xi32>
    tpu.vector_store %arg4[%swap3A_34, %swap3A_35], %swap3A_38 {strides = array<i32>} : memref<8x1024xi32, #tpu.memory_space<vmem>>, vector<1x1024xi32>,
    %broadcast_in_dim3A_39 = vector.shape_cast %reduce_min3A_33 : vector<1024xi32> to vector<1x1024xi32>
    %eq3A_40 = vector.broadcast %broadcast_in_dim3A_39 : vector<1x1024xi32> to vector<64x1024xi32>
    %eq3A_41 = arith.cmpi eq, %iota3A, %eq3A_40 : vector<64x1024xi32>
    %jit3A_42 = arith.constant 0xFF800000 : f32
    %broadcast_in_dim3A_43 = vector.broadcast %jit3A_42 : f32 to vector<64x1024xf32>
    %select_n3A_44 = arith.select %eq3A_41, %broadcast_in_dim3A_43, %select_n3A_23 : vector<64x1024xi1>, vector<64x1024xf32>
    %reduce_max3A_45 = arith.constant dense<0xFF800000> : vector<1024xf32>
    %reduce_max3A_46 = vector.multi_reduction <maximumf>, %select_n3A_44, %reduce_max3A_45 [0] : vector<64x1024xf32> to vector<1024xf32>
    %broadcast_in_dim3A_47 = vector.shape_cast %reduce_max3A_46 : vector<1024xf32> to vector<1x1024xf32>
    %eq3A_48 = vector.broadcast %broadcast_in_dim3A_47 : vector<1x1024xf32> to vector<64x1024xf32>
    %eq3A_49 = arith.cmpf oeq, %select_n3A_44, %eq3A_48 : vector<64x1024xf32>
    %jit3A_50 = arith.constant 64 : i32
    %broadcast_in_dim3A_51 = vector.broadcast %jit3A_50 : i32 to vector<64x1024xi32>
    %select_n3A_52 = arith.select %eq3A_49, %iota3A, %broadcast_in_dim3A_51 : vector<64x1024xi1>, vector<64x1024xi32>
    %reduce_min3A_53 = arith.constant dense<2147483647> : vector<1024xi32>
    %reduce_min3A_54 = vector.multi_reduction <minsi>, %select_n3A_52, %reduce_min3A_53 [0] : vector<64x1024xi32> to vector<1024xi32>
    %swap3A_55 = arith.constant 2 : index
    %swap3A_56 = arith.constant 0 : index
    %swap3A_57 = vector.load %arg4[%swap3A_55, %swap3A_56] : memref<8x1024xi32, #tpu.memory_space<vmem>>, vector<1x1024xi32>
    %swap3A_58 = vector.shape_cast %swap3A_57 : vector<1x1024xi32> to vector<1024xi32>
    %swap3A_59 = vector.shape_cast %reduce_min3A_54 : vector<1024xi32> to vector<1x1024xi32>
    tpu.vector_store %arg4[%swap3A_55, %swap3A_56], %swap3A_59 {strides = array<i32>} : memref<8x1024xi32, #tpu.memory_space<vmem>>, vector<1x1024xi32>,
    %broadcast_in_dim3A_60 = vector.shape_cast %reduce_min3A_54 : vector<1024xi32> to vector<1x1024xi32>
    %eq3A_61 = vector.broadcast %broadcast_in_dim3A_60 : vector<1x1024xi32> to vector<64x1024xi32>
    %eq3A_62 = arith.cmpi eq, %iota3A, %eq3A_61 : vector<64x1024xi32>
    %jit3A_63 = arith.constant 0xFF800000 : f32
    %broadcast_in_dim3A_64 = vector.broadcast %jit3A_63 : f32 to vector<64x1024xf32>
    %select_n3A_65 = arith.select %eq3A_62, %broadcast_in_dim3A_64, %select_n3A_44 : vector<64x1024xi1>, vector<64x1024xf32>
    %reduce_max3A_66 = arith.constant dense<0xFF800000> : vector<1024xf32>
    %reduce_max3A_67 = vector.multi_reduction <maximumf>, %select_n3A_65, %reduce_max3A_66 [0] : vector<64x1024xf32> to vector<1024xf32>
    %broadcast_in_dim3A_68 = vector.shape_cast %reduce_max3A_67 : vector<1024xf32> to vector<1x1024xf32>
    %eq3A_69 = vector.broadcast %broadcast_in_dim3A_68 : vector<1x1024xf32> to vector<64x1024xf32>
    %eq3A_70 = arith.cmpf oeq, %select_n3A_65, %eq3A_69 : vector<64x1024xf32>
    %jit3A_71 = arith.constant 64 : i32
    %broadcast_in_dim3A_72 = vector.broadcast %jit3A_71 : i32 to vector<64x1024xi32>
    %select_n3A_73 = arith.select %eq3A_70, %iota3A, %broadcast_in_dim3A_72 : vector<64x1024xi1>, vector<64x1024xi32>
    %reduce_min3A_74 = arith.constant dense<2147483647> : vector<1024xi32>
    %reduce_min3A_75 = vector.multi_reduction <minsi>, %select_n3A_73, %reduce_min3A_74 [0] : vector<64x1024xi32> to vector<1024xi32>
    %swap3A_76 = arith.constant 3 : index
    %swap3A_77 = arith.constant 0 : index
    %swap3A_78 = vector.load %arg4[%swap3A_76, %swap3A_77] : memref<8x1024xi32, #tpu.memory_space<vmem>>, vector<1x1024xi32>
    %swap3A_79 = vector.shape_cast %swap3A_78 : vector<1x1024xi32> to vector<1024xi32>
    %swap3A_80 = vector.shape_cast %reduce_min3A_75 : vector<1024xi32> to vector<1x1024xi32>
    tpu.vector_store %arg4[%swap3A_76, %swap3A_77], %swap3A_80 {strides = array<i32>} : memref<8x1024xi32, #tpu.memory_space<vmem>>, vector<1x1024xi32>,
    %broadcast_in_dim3A_81 = vector.shape_cast %reduce_min3A_75 : vector<1024xi32> to vector<1x1024xi32>
    %eq3A_82 = vector.broadcast %broadcast_in_dim3A_81 : vector<1x1024xi32> to vector<64x1024xi32>
    %eq3A_83 = arith.cmpi eq, %iota3A, %eq3A_82 : vector<64x1024xi32>
    %jit3A_84 = arith.constant 0xFF800000 : f32
    %broadcast_in_dim3A_85 = vector.broadcast %jit3A_84 : f32 to vector<64x1024xf32>
    %select_n3A_86 = arith.select %eq3A_83, %broadcast_in_dim3A_85, %select_n3A_65 : vector<64x1024xi1>, vector<64x1024xf32>
    %reduce_max3A_87 = arith.constant dense<0xFF800000> : vector<1024xf32>
    %reduce_max3A_88 = vector.multi_reduction <maximumf>, %select_n3A_86, %reduce_max3A_87 [0] : vector<64x1024xf32> to vector<1024xf32>
    %broadcast_in_dim3A_89 = vector.shape_cast %reduce_max3A_88 : vector<1024xf32> to vector<1x1024xf32>
    %eq3A_90 = vector.broadcast %broadcast_in_dim3A_89 : vector<1x1024xf32> to vector<64x1024xf32>
    %eq3A_91 = arith.cmpf oeq, %select_n3A_86, %eq3A_90 : vector<64x1024xf32>
    %jit3A_92 = arith.constant 64 : i32
    %broadcast_in_dim3A_93 = vector.broadcast %jit3A_92 : i32 to vector<64x1024xi32>
    %select_n3A_94 = arith.select %eq3A_91, %iota3A, %broadcast_in_dim3A_93 : vector<64x1024xi1>, vector<64x1024xi32>
    %reduce_min3A_95 = arith.constant dense<2147483647> : vector<1024xi32>
    %reduce_min3A_96 = vector.multi_reduction <minsi>, %select_n3A_94, %reduce_min3A_95 [0] : vector<64x1024xi32> to vector<1024xi32>
    %swap3A_97 = arith.constant 4 : index
    %swap3A_98 = arith.constant 0 : index
    %swap3A_99 = vector.load %arg4[%swap3A_97, %swap3A_98] : memref<8x1024xi32, #tpu.memory_space<vmem>>, vector<1x1024xi32>
    %swap3A_100 = vector.shape_cast %swap3A_99 : vector<1x1024xi32> to vector<1024xi32>
    %swap3A_101 = vector.shape_cast %reduce_min3A_96 : vector<1024xi32> to vector<1x1024xi32>
    tpu.vector_store %arg4[%swap3A_97, %swap3A_98], %swap3A_101 {strides = array<i32>} : memref<8x1024xi32, #tpu.memory_space<vmem>>, vector<1x1024xi32>,
    %broadcast_in_dim3A_102 = vector.shape_cast %reduce_min3A_96 : vector<1024xi32> to vector<1x1024xi32>
    %eq3A_103 = vector.broadcast %broadcast_in_dim3A_102 : vector<1x1024xi32> to vector<64x1024xi32>
    %eq3A_104 = arith.cmpi eq, %iota3A, %eq3A_103 : vector<64x1024xi32>
    %jit3A_105 = arith.constant 0xFF800000 : f32
    %broadcast_in_dim3A_106 = vector.broadcast %jit3A_105 : f32 to vector<64x1024xf32>
    %select_n3A_107 = arith.select %eq3A_104, %broadcast_in_dim3A_106, %select_n3A_86 : vector<64x1024xi1>, vector<64x1024xf32>
    %reduce_max3A_108 = arith.constant dense<0xFF800000> : vector<1024xf32>
    %reduce_max3A_109 = vector.multi_reduction <maximumf>, %select_n3A_107, %reduce_max3A_108 [0] : vector<64x1024xf32> to vector<1024xf32>
    %broadcast_in_dim3A_110 = vector.shape_cast %reduce_max3A_109 : vector<1024xf32> to vector<1x1024xf32>
    %eq3A_111 = vector.broadcast %broadcast_in_dim3A_110 : vector<1x1024xf32> to vector<64x1024xf32>
    %eq3A_112 = arith.cmpf oeq, %select_n3A_107, %eq3A_111 : vector<64x1024xf32>
    %jit3A_113 = arith.constant 64 : i32
    %broadcast_in_dim3A_114 = vector.broadcast %jit3A_113 : i32 to vector<64x1024xi32>
    %select_n3A_115 = arith.select %eq3A_112, %iota3A, %broadcast_in_dim3A_114 : vector<64x1024xi1>, vector<64x1024xi32>
    %reduce_min3A_116 = arith.constant dense<2147483647> : vector<1024xi32>
    %reduce_min3A_117 = vector.multi_reduction <minsi>, %select_n3A_115, %reduce_min3A_116 [0] : vector<64x1024xi32> to vector<1024xi32>
    %swap3A_118 = arith.constant 5 : index
    %swap3A_119 = arith.constant 0 : index
    %swap3A_120 = vector.load %arg4[%swap3A_118, %swap3A_119] : memref<8x1024xi32, #tpu.memory_space<vmem>>, vector<1x1024xi32>
    %swap3A_121 = vector.shape_cast %swap3A_120 : vector<1x1024xi32> to vector<1024xi32>
    %swap3A_122 = vector.shape_cast %reduce_min3A_117 : vector<1024xi32> to vector<1x1024xi32>
    tpu.vector_store %arg4[%swap3A_118, %swap3A_119], %swap3A_122 {strides = array<i32>} : memref<8x1024xi32, #tpu.memory_space<vmem>>, vector<1x1024xi32>,
    %broadcast_in_dim3A_123 = vector.shape_cast %reduce_min3A_117 : vector<1024xi32> to vector<1x1024xi32>
    %eq3A_124 = vector.broadcast %broadcast_in_dim3A_123 : vector<1x1024xi32> to vector<64x1024xi32>
    %eq3A_125 = arith.cmpi eq, %iota3A, %eq3A_124 : vector<64x1024xi32>
    %jit3A_126 = arith.constant 0xFF800000 : f32
    %broadcast_in_dim3A_127 = vector.broadcast %jit3A_126 : f32 to vector<64x1024xf32>
    %select_n3A_128 = arith.select %eq3A_125, %broadcast_in_dim3A_127, %select_n3A_107 : vector<64x1024xi1>, vector<64x1024xf32>
    %reduce_max3A_129 = arith.constant dense<0xFF800000> : vector<1024xf32>
    %reduce_max3A_130 = vector.multi_reduction <maximumf>, %select_n3A_128, %reduce_max3A_129 [0] : vector<64x1024xf32> to vector<1024xf32>
    %broadcast_in_dim3A_131 = vector.shape_cast %reduce_max3A_130 : vector<1024xf32> to vector<1x1024xf32>
    %eq3A_132 = vector.broadcast %broadcast_in_dim3A_131 : vector<1x1024xf32> to vector<64x1024xf32>
    %eq3A_133 = arith.cmpf oeq, %select_n3A_128, %eq3A_132 : vector<64x1024xf32>
    %jit3A_134 = arith.constant 64 : i32
    %broadcast_in_dim3A_135 = vector.broadcast %jit3A_134 : i32 to vector<64x1024xi32>
    %select_n3A_136 = arith.select %eq3A_133, %iota3A, %broadcast_in_dim3A_135 : vector<64x1024xi1>, vector<64x1024xi32>
    %reduce_min3A_137 = arith.constant dense<2147483647> : vector<1024xi32>
    %reduce_min3A_138 = vector.multi_reduction <minsi>, %select_n3A_136, %reduce_min3A_137 [0] : vector<64x1024xi32> to vector<1024xi32>
    %swap3A_139 = arith.constant 6 : index
    %swap3A_140 = arith.constant 0 : index
    %swap3A_141 = vector.load %arg4[%swap3A_139, %swap3A_140] : memref<8x1024xi32, #tpu.memory_space<vmem>>, vector<1x1024xi32>
    %swap3A_142 = vector.shape_cast %swap3A_141 : vector<1x1024xi32> to vector<1024xi32>
    %swap3A_143 = vector.shape_cast %reduce_min3A_138 : vector<1024xi32> to vector<1x1024xi32>
    tpu.vector_store %arg4[%swap3A_139, %swap3A_140], %swap3A_143 {strides = array<i32>} : memref<8x1024xi32, #tpu.memory_space<vmem>>, vector<1x1024xi32>,
    %broadcast_in_dim3A_144 = vector.shape_cast %reduce_min3A_138 : vector<1024xi32> to vector<1x1024xi32>
    %eq3A_145 = vector.broadcast %broadcast_in_dim3A_144 : vector<1x1024xi32> to vector<64x1024xi32>
    %eq3A_146 = arith.cmpi eq, %iota3A, %eq3A_145 : vector<64x1024xi32>
    %jit3A_147 = arith.constant 0xFF800000 : f32
    %broadcast_in_dim3A_148 = vector.broadcast %jit3A_147 : f32 to vector<64x1024xf32>
    %select_n3A_149 = arith.select %eq3A_146, %broadcast_in_dim3A_148, %select_n3A_128 : vector<64x1024xi1>, vector<64x1024xf32>
    %reduce_max3A_150 = arith.constant dense<0xFF800000> : vector<1024xf32>
    %reduce_max3A_151 = vector.multi_reduction <maximumf>, %select_n3A_149, %reduce_max3A_150 [0] : vector<64x1024xf32> to vector<1024xf32>
    %broadcast_in_dim3A_152 = vector.shape_cast %reduce_max3A_151 : vector<1024xf32> to vector<1x1024xf32>
    %eq3A_153 = vector.broadcast %broadcast_in_dim3A_152 : vector<1x1024xf32> to vector<64x1024xf32>
    %eq3A_154 = arith.cmpf oeq, %select_n3A_149, %eq3A_153 : vector<64x1024xf32>
    %jit3A_155 = arith.constant 64 : i32
    %broadcast_in_dim3A_156 = vector.broadcast %jit3A_155 : i32 to vector<64x1024xi32>
    %select_n3A_157 = arith.select %eq3A_154, %iota3A, %broadcast_in_dim3A_156 : vector<64x1024xi1>, vector<64x1024xi32>
    %reduce_min3A_158 = arith.constant dense<2147483647> : vector<1024xi32>
    %reduce_min3A_159 = vector.multi_reduction <minsi>, %select_n3A_157, %reduce_min3A_158 [0] : vector<64x1024xi32> to vector<1024xi32>
    %swap3A_160 = arith.constant 7 : index
    %swap3A_161 = arith.constant 0 : index
    %swap3A_162 = vector.load %arg4[%swap3A_160, %swap3A_161] : memref<8x1024xi32, #tpu.memory_space<vmem>>, vector<1x1024xi32>
    %swap3A_163 = vector.shape_cast %swap3A_162 : vector<1x1024xi32> to vector<1024xi32>
    %swap3A_164 = vector.shape_cast %reduce_min3A_159 : vector<1024xi32> to vector<1x1024xi32>
    tpu.vector_store %arg4[%swap3A_160, %swap3A_161], %swap3A_164 {strides = array<i32>} : memref<8x1024xi32, #tpu.memory_space<vmem>>, vector<1x1024xi32>,
    %sub3A = arith.subf %reduce_max3A_10, %reduce_max3A_10 : vector<1024xf32>
    %exp3A = math.exp %sub3A : vector<1024xf32>
    %sub3A_165 = arith.subf %reduce_max3A_25, %reduce_max3A_10 : vector<1024xf32>
    %exp3A_166 = math.exp %sub3A_165 : vector<1024xf32>
    %sub3A_167 = arith.subf %reduce_max3A_46, %reduce_max3A_10 : vector<1024xf32>
    %exp3A_168 = math.exp %sub3A_167 : vector<1024xf32>
    %sub3A_169 = arith.subf %reduce_max3A_67, %reduce_max3A_10 : vector<1024xf32>
    %exp3A_170 = math.exp %sub3A_169 : vector<1024xf32>
    %sub3A_171 = arith.subf %reduce_max3A_88, %reduce_max3A_10 : vector<1024xf32>
    %exp3A_172 = math.exp %sub3A_171 : vector<1024xf32>
    %sub3A_173 = arith.subf %reduce_max3A_109, %reduce_max3A_10 : vector<1024xf32>
    %exp3A_174 = math.exp %sub3A_173 : vector<1024xf32>
    %sub3A_175 = arith.subf %reduce_max3A_130, %reduce_max3A_10 : vector<1024xf32>
    %exp3A_176 = math.exp %sub3A_175 : vector<1024xf32>
    %sub3A_177 = arith.subf %reduce_max3A_151, %reduce_max3A_10 : vector<1024xf32>
    %exp3A_178 = math.exp %sub3A_177 : vector<1024xf32>
    %add3A_179 = arith.addf %exp3A, %exp3A_166 : vector<1024xf32>
    %add3A_180 = arith.addf %add3A_179, %exp3A_168 : vector<1024xf32>
    %add3A_181 = arith.addf %add3A_180, %exp3A_170 : vector<1024xf32>
    %add3A_182 = arith.addf %add3A_181, %exp3A_172 : vector<1024xf32>
    %add3A_183 = arith.addf %add3A_182, %exp3A_174 : vector<1024xf32>
    %add3A_184 = arith.addf %add3A_183, %exp3A_176 : vector<1024xf32>
    %add3A_185 = arith.addf %add3A_184, %exp3A_178 : vector<1024xf32>
    %div3A = arith.constant 1.000000e+00 : f32
    %div3A_186 = vector.broadcast %div3A : f32 to vector<1024xf32>
    %div3A_187 = arith.divf %div3A_186, %add3A_185 : vector<1024xf32>
    %mul3A = arith.mulf %exp3A, %div3A_187 : vector<1024xf32>
    %swap3A_188 = arith.constant 0 : index
    %swap3A_189 = arith.constant 0 : index
    %swap3A_190 = vector.load %arg5[%swap3A_188, %swap3A_189] : memref<8x1024xf32, #tpu.memory_space<vmem>>, vector<1x1024xf32>
    %swap3A_191 = vector.shape_cast %swap3A_190 : vector<1x1024xf32> to vector<1024xf32>
    %swap3A_192 = vector.shape_cast %mul3A : vector<1024xf32> to vector<1x1024xf32>
    tpu.vector_store %arg5[%swap3A_188, %swap3A_189], %swap3A_192 {strides = array<i32>} : memref<8x1024xf32, #tpu.memory_space<vmem>>, vector<1x1024xf32>,
    %mul3A_193 = arith.mulf %exp3A_166, %div3A_187 : vector<1024xf32>
    %swap3A_194 = arith.constant 1 : index
    %swap3A_195 = arith.constant 0 : index
    %swap3A_196 = vector.load %arg5[%swap3A_194, %swap3A_195] : memref<8x1024xf32, #tpu.memory_space<vmem>>, vector<1x1024xf32>
    %swap3A_197 = vector.shape_cast %swap3A_196 : vector<1x1024xf32> to vector<1024xf32>
    %swap3A_198 = vector.shape_cast %mul3A_193 : vector<1024xf32> to vector<1x1024xf32>
    tpu.vector_store %arg5[%swap3A_194, %swap3A_195], %swap3A_198 {strides = array<i32>} : memref<8x1024xf32, #tpu.memory_space<vmem>>, vector<1x1024xf32>,
    %mul3A_199 = arith.mulf %exp3A_168, %div3A_187 : vector<1024xf32>
    %swap3A_200 = arith.constant 2 : index
    %swap3A_201 = arith.constant 0 : index
    %swap3A_202 = vector.load %arg5[%swap3A_200, %swap3A_201] : memref<8x1024xf32, #tpu.memory_space<vmem>>, vector<1x1024xf32>
    %swap3A_203 = vector.shape_cast %swap3A_202 : vector<1x1024xf32> to vector<1024xf32>
    %swap3A_204 = vector.shape_cast %mul3A_199 : vector<1024xf32> to vector<1x1024xf32>
    tpu.vector_store %arg5[%swap3A_200, %swap3A_201], %swap3A_204 {strides = array<i32>} : memref<8x1024xf32, #tpu.memory_space<vmem>>, vector<1x1024xf32>,
    %mul3A_205 = arith.mulf %exp3A_170, %div3A_187 : vector<1024xf32>
    %swap3A_206 = arith.constant 3 : index
    %swap3A_207 = arith.constant 0 : index
    %swap3A_208 = vector.load %arg5[%swap3A_206, %swap3A_207] : memref<8x1024xf32, #tpu.memory_space<vmem>>, vector<1x1024xf32>
    %swap3A_209 = vector.shape_cast %swap3A_208 : vector<1x1024xf32> to vector<1024xf32>
    %swap3A_210 = vector.shape_cast %mul3A_205 : vector<1024xf32> to vector<1x1024xf32>
    tpu.vector_store %arg5[%swap3A_206, %swap3A_207], %swap3A_210 {strides = array<i32>} : memref<8x1024xf32, #tpu.memory_space<vmem>>, vector<1x1024xf32>,
    %mul3A_211 = arith.mulf %exp3A_172, %div3A_187 : vector<1024xf32>
    %swap3A_212 = arith.constant 4 : index
    %swap3A_213 = arith.constant 0 : index
    %swap3A_214 = vector.load %arg5[%swap3A_212, %swap3A_213] : memref<8x1024xf32, #tpu.memory_space<vmem>>, vector<1x1024xf32>
    %swap3A_215 = vector.shape_cast %swap3A_214 : vector<1x1024xf32> to vector<1024xf32>
    %swap3A_216 = vector.shape_cast %mul3A_211 : vector<1024xf32> to vector<1x1024xf32>
    tpu.vector_store %arg5[%swap3A_212, %swap3A_213], %swap3A_216 {strides = array<i32>} : memref<8x1024xf32, #tpu.memory_space<vmem>>, vector<1x1024xf32>,
    %mul3A_217 = arith.mulf %exp3A_174, %div3A_187 : vector<1024xf32>
    %swap3A_218 = arith.constant 5 : index
    %swap3A_219 = arith.constant 0 : index
    %swap3A_220 = vector.load %arg5[%swap3A_218, %swap3A_219] : memref<8x1024xf32, #tpu.memory_space<vmem>>, vector<1x1024xf32>
    %swap3A_221 = vector.shape_cast %swap3A_220 : vector<1x1024xf32> to vector<1024xf32>
    %swap3A_222 = vector.shape_cast %mul3A_217 : vector<1024xf32> to vector<1x1024xf32>
    tpu.vector_store %arg5[%swap3A_218, %swap3A_219], %swap3A_222 {strides = array<i32>} : memref<8x1024xf32, #tpu.memory_space<vmem>>, vector<1x1024xf32>,
    %mul3A_223 = arith.mulf %exp3A_176, %div3A_187 : vector<1024xf32>
    %swap3A_224 = arith.constant 6 : index
    %swap3A_225 = arith.constant 0 : index
    %swap3A_226 = vector.load %arg5[%swap3A_224, %swap3A_225] : memref<8x1024xf32, #tpu.memory_space<vmem>>, vector<1x1024xf32>
    %swap3A_227 = vector.shape_cast %swap3A_226 : vector<1x1024xf32> to vector<1024xf32>
    %swap3A_228 = vector.shape_cast %mul3A_223 : vector<1024xf32> to vector<1x1024xf32>
    tpu.vector_store %arg5[%swap3A_224, %swap3A_225], %swap3A_228 {strides = array<i32>} : memref<8x1024xf32, #tpu.memory_space<vmem>>, vector<1x1024xf32>,
    %mul3A_229 = arith.mulf %exp3A_178, %div3A_187 : vector<1024xf32>
    %swap3A_230 = arith.constant 7 : index
    %swap3A_231 = arith.constant 0 : index
    %swap3A_232 = vector.load %arg5[%swap3A_230, %swap3A_231] : memref<8x1024xf32, #tpu.memory_space<vmem>>, vector<1x1024xf32>
    %swap3A_233 = vector.shape_cast %swap3A_232 : vector<1x1024xf32> to vector<1024xf32>
    %swap3A_234 = vector.shape_cast %mul3A_229 : vector<1024xf32> to vector<1x1024xf32>
    tpu.vector_store %arg5[%swap3A_230, %swap3A_231], %swap3A_234 {strides = array<i32>} : memref<8x1024xf32, #tpu.memory_space<vmem>>, vector<1x1024xf32>,
    return
  }
  func.func @transform_0(%arg0: i32) -> (i32, i32) {
    %add3A = arith.constant 8 : i32
    %add3A_0 = arith.addi %add3A, %arg0 : i32
    %c0_i32 = arith.constant 0 : i32
    %c0_i32_1 = arith.constant 0 : i32
    return %add3A_0, %c0_i32 : i32, i32
  }
  func.func @transform_1(%arg0: i32) -> (i32, i32) {
    %c0_i32 = arith.constant 0 : i32
    %c0_i32_0 = arith.constant 0 : i32
    %c0_i32_1 = arith.constant 0 : i32
    return %c0_i32, %c0_i32_0 : i32, i32
  }
  func.func @transform_2(%arg0: i32) -> (i32, i32) {
    %c0_i32 = arith.constant 0 : i32
    %c0_i32_0 = arith.constant 0 : i32
    %c0_i32_1 = arith.constant 0 : i32
    return %c0_i32, %c0_i32_0 : i32, i32
  }
  func.func @transform_3(%arg0: i32) -> (i32, i32) {
    %c0_i32 = arith.constant 0 : i32
    %c0_i32_0 = arith.constant 0 : i32
    return %c0_i32, %arg0 : i32, i32
  }
  func.func @transform_4(%arg0: i32) -> (i32, i32) {
    %c0_i32 = arith.constant 0 : i32
    %c0_i32_0 = arith.constant 0 : i32
    return %c0_i32, %arg0 : i32, i32
  }
}

</mosaic_0001>

<sc_bundles>
// kernel: kernel.5.cloned.1.call-start
scs
__scs_entry_jumppad:
0x0: {  	(pc) =	sbr.rel $0x88, $3  }
0x1: {  	(tag) =	ssettag $0x0;
	lr =	simm.s32 $0x1  }
0x2: {  	[smem:$0x3F9E] =	sst lr;
	_ =	strace $0xD0000000  }
0x3: {  	_ = 	snop  }
0x4: {  	_ = 	snop  }
0x5: {  	_ = 	snop  }
0x6: {  	_ = 	snop  }
0x7: {  	_ = 	snop  }
__scs_overlays_trampoline_lowered:
0x8: {  	[smem:$0x3FAD] =	sst s0  }
0x9: {  	[smem:$0x3FAE] =	sst s1  }
0xa: {  	[smem:$0x3FAF] =	sst s2  }
0xb: {  	[smem:$0x3FB0] =	sst s3  }
0xc: {  	[smem:$0x3FB1] =	sst s4  }
0xd: {  	[smem:$0x3FB2] =	sst s5  }
0xe: {  	[smem:$0x3FB3] =	sst s6  }
0xf: {  	[smem:$0x3FB4] =	sst s7  }
0x10: {  	[smem:$0x3FB5] =	sst s8  }
0x11: {  	[smem:$0x3FB6] =	sst s9;
	s0 =	simm.s32 @!p0 $0x0  }
0x12: {  	s1 =	sld [smem:$0x3F9C];
	s0 =	simm.s32 @p0 $0x1  }
0x13: {  	[smem:$0x3FB7] =	sst s0;
	s0 =	simm.s32 @!p1 $0x0  }
0x14: {  	s2 =	sld [smem:$0x3F9B];
	s0 =	simm.s32 @p1 $0x1  }
0x15: {  	[smem:$0x3FB8] =	sst s0;
	s0 =	simm.s32 @!p2 $0x0  }
0x16: {  	s3 =	sld [smem:$0x3FDB];
	s0 =	simm.s32 @p2 $0x1  }
0x17: {  	s4 =	simm.s32 $0x1BF5;
	[smem:$0x3FBA] =	sst s0  }
0x18: {  	s0 =	sld [smem:$0x3F9D];
	_ =	swait.ge [sflag:s4], $0x0  }
0x19: {  	s7 =	sld [smem:$0x3F9E]  }
0x1a: {  	s8 =	sadd.s32 $0xFFFFE003, lr  }
0x1b: {  	s9 =	sadd.s32 $0xFFFFFEF7, lr;
	s5 =	simm.s32 $0xFFFFFFFF;
	p2 =	slt.u32 s8, $0xFFFFF086  }
0x1c: {  	p1 =	slt.u32 s9, $0xF7A;
	s5 =	simm.s32 @!p2 $0x0  }
0x1d: {  	s5 =	simm.s32 @p1 $0x1;
	p0 =	seq.s32 s7, s2  }
0x1e: {  	s7 =	smul.u32 @!p0 $0xF7A, s2;
	p2 =	seq.s32 @!p0 s5, $0x0  }
0x1f: {  	s9 =	smul.u32 $0xF7A, s1;
	s8 =	simm.s32 @!p0 $0x1BF5;
	p2 =	por !p2, p0  }
0x20: {  	[sflag:s8] =	ssyncset.s32 @!p0 $0xFFFFF086;
	s6 =	sadd.s32 @!p0 s3, s7;
	s7 =	simm.s32 @!p0 $0x108  }
0x21: {  	s3 =	sadd.s32 s3, s9;
	s6 =	sadd.s32 @!p0 $0x88, s6;
	s7 =	simm.s32 @p2 $0x1082  }
0x22: {  	[simem:s7], [sflag:s8] =	dma.local @!p0 [hbm:s6], $0xF7A  }
0x23: {  	s9 =	sor.u32 $0xD0000000, s2;
	s6 =	simm.s32 $0x108;
	_ =	swait.ge @!p0 [sflag:s8], $0x0  }
0x24: {  	s3 =	sadd.s32 $0x88, s3;
	s6 =	simm.s32 @!p1 $0x1082;
	[sflag:s4] =	ssyncset.s32 $0xFFFFF086  }
0x25: {  	[simem:s6], [sflag:s4] =	dma.local [hbm:s3], $0xF7A  }
0x26: {  	[smem:$0x3F9E] =	sst s1;
	(tag) =	ssettag s2;
	_ =	strace s9  }
0x27: {  	s1 =	sld [smem:$0x3FAE]  }
0x28: {  	s2 =	sld [smem:$0x3FAF]  }
0x29: {  	s4 =	sld [smem:$0x3FB1]  }
0x2a: {  	p0 =	seq.s32 s5, $0x0;
	s5 =	sld [smem:$0x3FB2]  }
0x2b: {  	s6 =	sld [smem:$0x3FB3]  }
0x2c: {  	s7 =	sld [smem:$0x3FB4]  }
0x2d: {  	s3 =	simm.s32 $0x108;
	s8 =	sld [smem:$0x3FB5]  }
0x2e: {  	s3 =	simm.s32 @!p0 $0x1082;
	s9 =	sld [smem:$0x3FB6]  }
0x2f: {  	lr =	sadd.s32 s0, s3;
	s0 =	sld [smem:$0x3FAD]  }
0x30: {  	s3 =	sld [smem:$0x3FB0]  }
0x31: {  	[smem:$0x3FB9] =	sst s10  }
0x32: {  	s10 =	sld [smem:$0x3FB7];
	_ =	sdelay $0x3  }
0x33: {  	p0 =	seq.s32 s10, $0x1;
	s10 =	sld [smem:$0x3FB9];
	_ =	sdelay $0x3  }
0x34: {  	[smem:$0x3FB9] =	sst s10  }
0x35: {  	s10 =	sld [smem:$0x3FB8];
	_ =	sdelay $0x3  }
0x36: {  	p1 =	seq.s32 s10, $0x1;
	s10 =	sld [smem:$0x3FB9];
	_ =	sdelay $0x3  }
0x37: {  	[smem:$0x3FB9] =	sst s10  }
0x38: {  	s10 =	sld [smem:$0x3FBA]  }
0x39: {  	_ = 	snop;
	(pc) =	sbr.ind lr, $3  }
0x3a: {  	_ = 	snop  }
0x3b: {  	_ = 	snop  }
0x3c: {  	p2 =	seq.s32 s10, $0x1;
	s10 =	sld [smem:$0x3FB9]  }
0x3d: {  	_ =	shalt  }
0x3e: {  	_ =	shalt  }
0x3f: {  	_ =	shalt  }
0x40: {  	_ =	shalt  }
0x41: {  	_ =	shalt  }
0x42: {  	_ =	shalt  }
0x43: {  	_ =	shalt  }
0x44: {  	_ =	shalt  }
0x45: {  	_ =	shalt  }
0x46: {  	_ =	shalt  }
0x47: {  	_ =	shalt  }
0x48: {  	_ =	shalt  }
0x49: {  	_ =	shalt  }
0x4a: {  	_ =	shalt  }
0x4b: {  	_ =	shalt  }
0x4c: {  	_ =	shalt  }
0x4d: {  	_ =	shalt  }
0x4e: {  	_ =	shalt  }
0x4f: {  	_ =	shalt  }
0x50: {  	_ =	shalt  }
0x51: {  	_ =	shalt  }
0x52: {  	_ =	shalt  }
0x53: {  	_ =	shalt  }
0x54: {  	_ =	shalt  }
0x55: {  	_ =	shalt  }
0x56: {  	_ =	shalt  }
0x57: {  	_ =	shalt  }
0x58: {  	_ =	shalt  }
0x59: {  	_ =	shalt  }
0x5a: {  	_ =	shalt  }
0x5b: {  	_ =	shalt  }
0x5c: {  	_ =	shalt  }
0x5d: {  	_ =	shalt  }
0x5e: {  	_ =	shalt  }
0x5f: {  	_ =	shalt  }
0x60: {  	_ =	shalt  }
0x61: {  	_ =	shalt  }
0x62: {  	_ =	shalt  }
0x63: {  	_ =	shalt  }
0x64: {  	_ =	shalt  }
0x65: {  	_ =	shalt  }
0x66: {  	_ =	shalt  }
0x67: {  	_ =	shalt  }
0x68: {  	_ =	shalt  }
0x69: {  	_ =	shalt  }
0x6a: {  	_ =	shalt  }
0x6b: {  	_ =	shalt  }
0x6c: {  	_ =	shalt  }
0x6d: {  	_ =	shalt  }
0x6e: {  	_ =	shalt  }
0x6f: {  	_ =	shalt  }
0x70: {  	_ =	shalt  }
0x71: {  	_ =	shalt  }
0x72: {  	_ =	shalt  }
0x73: {  	_ =	shalt  }
0x74: {  	_ =	shalt  }
0x75: {  	_ =	shalt  }
0x76: {  	_ =	shalt  }
0x77: {  	_ =	shalt  }
0x78: {  	_ =	shalt  }
0x79: {  	_ =	shalt  }
0x7a: {  	_ =	shalt  }
0x7b: {  	_ =	shalt  }
0x7c: {  	_ =	shalt  }
0x7d: {  	_ =	shalt  }
0x7e: {  	_ =	shalt  }
0x7f: {  	_ =	shalt  }
0x80: {  	_ =	shalt  }
0x81: {  	_ =	shalt  }
0x82: {  	_ =	shalt  }
0x83: {  	_ =	shalt  }
0x84: {  	_ =	shalt  }
0x85: {  	_ =	shalt  }
0x86: {  	_ =	shalt  }
0x87: {  	_ =	shalt  }
.Lfunc_end0:
.L_simem_size_0:
called_computation_lowered:
.L_overlay_start_0:
0x88: {  	s2 =	sld [smem:$0x3FD9]  }
0x89: {  	s3 =	sld [smem:$0x3FFE];
	_ =	sdelay $0x1  }
0x8a: {  	s1 =	srdreg.scid  }
0x8b: {  	s0 =	sand.u32 $0x1, s1  }
0x8c: {  	s14 =	sshll.u32 s0, $0xA;
	s2 =	sadd.s32 s3, s2  }
0x8d: {  	s2 =	sadd.s32 s2, s14  }
0x8e: {  	[smem:$0x3FC5] =	sst s2  }
0x8f: {  	_ = 	snop  }
0x90: {  	s2 =	sld [smem:$0x3FD0];
	_ =	sdelay $0x2  }
0x91: {  	s15 =	simm.s32 $0xA;
	s4 =	simm.s32 $0x10  }
0x92: {  	[smem:s4], [sflag:s15] =	dma.local [hbm:s2], $0x1  }
0x93: {  	_ =	swait.eq [sflag:s15], $0x1  }
0x94: {  	[sflag:s15] =	ssyncset.done $0x0  }
0x95: {  	[sflag:s15] =	ssyncadd.s32 $0xFFFFFFFF  }
0x96: {  	s16 =	sld [smem:$0x10];
	(tm) =	ssettm $0x1  }
0x97: {  	s17 =	sld [smem:$0x3FFB];
	_ =	sdelay $0x3  }
0x98: {  	_ =	strace s17  }
0x99: {  	s3 =	sld [smem:$0x3FFC];
	_ =	sdelay $0x3  }
0x9a: {  	_ =	strace s3  }
0x9b: {  	s3 =	sld [smem:$0x3FFD];
	_ =	sdelay $0x3  }
0x9c: {  	_ =	strace s3  }
0x9d: {  	_ =	strace $0x8FFFFFFF  }
0x9e: {  	s18 =	sld [smem:$0x3FDB];
	_ =	sdelay $0x1  }
0x9f: {  	s19 =	simm.s32 $_scs_section_size  }
0xa0: {  	s5 =	simm.s32 $_size__tile_overlayer_lowered;
	s6 =	simm.s32 $_tile_overlayer_lowered  }
0xa1: {  	s22 =	simm.s32 $0x1BFF;
	s21 =	sshll.u32 s6, $0x1;
	s3 =	sadd.s32 s19, s18  }
0xa2: {  	s7 =	simm.s32 $0x0;
	s20 =	sshll.u32 s5, $0x1;
	s5 =	sadd.s32 s21, s3  }
0xa3: {  	[timem:s7], [sflag:s22] =	dma.local [hbm:s5], s20  }
0xa4: {  	_ =	swait.ge [sflag:s22], s20  }
0xa5: {  	s4 =	ssub.s32 $0x0, s20;
	[sflag:s22] =	ssyncset.done $0x0  }
0xa6: {  	[sflag:s22] =	ssyncadd.s32 s4;
	_ =	sdelay $0x1  }
0xa7: {  	s23 =	simm.s32 $0x1B8B  }
0xa8: {  	_ =	swait.ge [sflag:s23], $0x1  }
0xa9: {  	[sflag:s23] =	ssyncset.done $0x0  }
0xaa: {  	s25 =	simm.s32 $0x1B8E;
	s24 =	sld [smem:$0x3FFE];
	[sflag:s23] =	ssyncadd.s32 $0xFFFFFFFF  }
0xab: {  	s26 =	simm.s32 $execute0_lowered;
	[smem:$0x3FD2] =	sst s25  }
0xac: {  	s5 =	sshll.u32 s26, $0x1;
	_ =	strace $0x80000046;
	[dreg:$0x1] =	wrdreg $0xFFFFFFFF  }
0xad: {  	s28 =	simm.s32 $_size_execute0_lowered;
	s3 =	sadd.s32 s3, s5;
	[dreg:$0x0] =	wrdreg $0x0  }
0xae: {  	s5 =	sshll.u32 s28, $0x1;
	[dreg:$0x2] =	wrdreg s3  }
0xaf: {  	[dreg:$0x3] =	wrdreg s5  }
0xb0: {  	[dreg:$0x4] =	wrdreg $0xC0  }
0xb1: {  	_ =	task [dreg:s7], $0x5FFFF  }
0xb2: {  	[dreg:$0x1] =	wrdreg $0xFFFFFFFF  }
0xb3: {  	[dreg:$0x0] =	wrdreg $0x60  }
0xb4: {  	[dreg:$0x2] =	wrdreg s24  }
0xb5: {  	[dreg:$0x3] =	wrdreg s16  }
0xb6: {  	[dreg:$0x4] =	wrdreg $0x9  }
0xb7: {  	_ =	task.clear_ibuf [dreg:s7], $0x5FFFF;
	_ =	strace $0x90000046  }
0xb8: {  	s29 =	simm.s32 $0x9;
	_ =	strace $0x80000048  }
0xb9: {  	_ =	swait.ge [sflag:s29], $0x1  }
0xba: {  	[sflag:s29] =	ssyncadd.s32 $0xFFFFFFFF  }
0xbb: {  	_ =	strace $0x90000048  }
0xbc: {  	_ =	sfence  }
0xbd: {  	s30 =	sld [smem:$0x0];
	_ =	sdelay $0x2  }
0xbe: {  	s31 =	sshll.u32 s1, $0xD;
	s1 =	sshrl.u32 s1, $0x2  }
0xbf: {  	s3 =	sand.u32 $0x4000, s31;
	s1 =	sadd.s32 s1, s30  }
0xc0: {  	s0 =	sor.u32 s3, s0;
	s1 =	sshll.u32 s1, $0x11  }
0xc1: {  	s0 =	sor.u32 s1, s0  }
0xc2: {  	s0 =	sadd.s32 $0x8F2B, s0  }
0xc3: {  	[sflag:s0] =	ssyncadd.remote.s32 $0x1  }
0xc4: {  	_ =	sfence.sel $0xFFFF  }
0xc5: {  	[dreg:$0x0] =	wrdreg $0xFFFFFFFF;
	(pc) =	sbr.abs _section_cstart, $3  }
0xc6: {  	[dreg:$0x1] =	wrdreg $0xFFFFFFFF  }
0xc7: {  	_ =	task.clear_ibuf [dreg:s7], $0x2FFFF;
	_ =	strace $0x9FFFFFFF  }
0xc8: {  	(tm) =	ssettm $0x7FFFFFFF  }
0xc9: {  	_ =	shalt  }
tec
execute0_lowered:
.L_overlay_start_1:
0x0: {  	(tag) =	ssettag $0x1  }
0x1: {  	s3 =	rddreg [dreg:$0x0];
	s0 =	srdreg.scid  }
0x2: {  	s5 =	rddreg [dreg:$0x1];
	s1 =	stileid.u32;
	s2 =	simm.s32 $0x0  }
0x3: {  	s9 =	simm.s32 $0x1;
	s10 =	simm.s32 $0x4000;
	s11 =	simm.s32 $0x4800  }
0x4: {  	s12 =	simm.s32 $0x0;
	s4 =	sand.u32 $0x1, s0;
	s0 =	rddreg [dreg:$0x2]  }
0x5: {  	s6 =	sshll.u32 s1, $0x9;
	s7 =	sshll.u32 s4, $0x8;
	s4 =	ssub.s32 $0x2, s4  }
0x6: {  	[smem:$0x7FF] =	sst s2;
	s6 =	sor.u32 s7, s6;
	s31 =	sshrl.u32 s4, $0x1  }
0x7: {  	_ =	strace $0x80000047;
	s7 =	sadd.s32 s6, s3;
	s8 =	ssub.s32 s4, s31  }
0x8: {  	s5 =	sadd.s32 s5, s6;
	s3 =	sadd.s32 $0xE00, s7;
	s4 =	sadd.s32 $0x10E00, s7  }
0x9: {  	s6 =	smax.u32 s8, $0x1;
	s7 =	simm.s32 $0x800;
	s8 =	simm.s32 $0x10000  }
.LBB2_1:
0xa: {  	[tilespmem:s2], [sflag:$0x1] =	stream.strided.gather [hbm4b:s3+s7], $0x4000, s8, s7, $0x38;
	[tilespmem:$0x5000] =	vst v63  }
0xb: {  	_ =	swait.ge [sflag:s9], $0x4000  }
0xc: {  	[sflag:s9] =	ssyncset.done $0x0  }
0xd: {  	s13 =	simm.s32 $0x0;
	[sflag:s9] =	ssyncadd.s32 $0xFFFFC000  }
.LBB2_2:
0xe: {  	s14 =	sshll.u32 s13, $0x4  }
0xf: {  	s16 =	sand.u32 $0x70, s14  }
0x10: {  	v12 =	vmov s16  }
0x11: {  	s15 =	sshll.u32 s13, $0x7;
	s18 =	simm.s32 $0x0  }
0x12: {  	s17 =	sand.u32 $0x400, s15;
	s19 =	sand.u32 $0x3800, s18  }
0x13: {  	s20 =	sand.u32 $0x380, s18;
	s19 =	sor.u32 s19, s17  }
0x14: {  	s19 =	sadd.s32 s20, s19  }
0x15: {  	v1 =	vld.idx.msk [tilespmem:v12+s19+$0x0 ss:$0x1], $0xffff  }
0x16: {  	s30 =	simm.s32 $0x100  }
0x17: {  	s31 =	sand.u32 $0x3800, s30;
	s19 =	simm.s32 $0x80  }
0x18: {  	s20 =	sor.u32 s31, s17;
	s21 =	sand.u32 $0x380, s19  }
0x19: {  	v10 =	vimm.f32 $-Inf;
	s20 =	sadd.s32 s21, s20  }
0x1a: {  	v20 =	vld.idx.msk [tilespmem:v12+s20+$0x0 ss:$0x1], $0xffff;
	vm0 =	vgt.f32 v1, v10  }
0x1b: {  	v2 =	vsel vm0, v10, v1  }
0x1c: {  	v0 =	vimm.s32 $0x0;
	vm1 =	vgt.f32 v2, v10  }
0x1d: {  	v21 =	vimm.f32 $-Inf;
	v19 =	vsel vm0, v1, v10;
	v3 =	vsel vm1, v10, v2  }
0x1e: {  	v8 =	vsel vm0, s18, v0;
	v17 =	vsel vm1, v2, v10;
	vm2 =	vgt.f32 v3, v10  }
0x1f: {  	v2 =	vnsel vm0, s18, v0;
	vm4 =	vgt.f32 v20, v19;
	v1 =	vsel vm2, v10, v3  }
0x20: {  	v6 =	vsel vm1, v2, v0;
	v16 =	vsel vm2, v3, v10;
	vm3 =	vgt.f32 v1, v10  }
0x21: {  	v3 =	vsel vm1, v0, v2;
	v14 =	vsel vm3, v1, v10;
	v1 =	vsel vm3, v10, v1  }
0x22: {  	v25 =	vsel vm4, v19, v20;
	v4 =	vsel vm2, v0, v3;
	vm5 =	vgt.f32 v1, v10  }
0x23: {  	v7 =	vsel vm2, v3, v0;
	v15 =	vsel vm5, v1, v10;
	v1 =	vsel vm5, v10, v1  }
0x24: {  	v3 =	vimm.s32 $0x0;
	v2 =	vsel vm3, v4, v0;
	vm1 =	vgt.f32 v1, v10  }
0x25: {  	v4 =	vsel vm3, v0, v4;
	vm3 =	vgt.f32 v25, v17;
	v22 =	vsel vm1, v10, v1  }
0x26: {  	v24 =	vsel vm3, v17, v25;
	v5 =	vsel vm5, v4, v0;
	vm0 =	vgt.f32 v22, v10  }
0x27: {  	v13 =	vsel vm5, v0, v4;
	v4 =	vimm.s32 $0x0;
	v23 =	vsel vm0, v10, v22  }
0x28: {  	s21 =	simm.s32 $0x200;
	s20 =	simm.s32 $0x2;
	v11 =	vmovc v8;
	s18 =	simm.s32 $0x1;
	v9 =	vmovc v5;
	v18 =	vsel vm1, v1, v10;
	v1 =	vimm.s32 $0x0;
	vm2 =	vgt.f32 v23, v10  }
.LBB2_3:
0x29: {  	s22 =	sand.u32 $0x3800, s21  }
0x2a: {  	p0 =	sne.s32 s20, $0x3F;
	v17 =	vsel vm3, v25, v17;
	s19 =	sadd.s32 $0x80, s19;
	v25 =	vsel vm1, v0, v13;
	v10 =	vsel vm2, v23, v10;
	s23 =	smov.u32 s20  }
0x2b: {  	s20 =	sadd.s32 $0x1, s20;
	v0 =	vsel vm1, v13, v0;
	v21 =	vsel vm0, v22, v21;
	s24 =	sand.u32 $0x380, s19;
	s22 =	sor.u32 s22, s17;
	v4 =	vsel vm0, v25, v4  }
0x2c: {  	v19 =	vsel vm4, v20, v19;
	vm5 =	vgt.f32 v24, v16;
	v13 =	vsel vm0, v3, v25;
	s22 =	sadd.s32 s24, s22;
	v3 =	vmovc v4  }
0x2d: {  	v22 =	vsel vm5, v16, v24;
	v16 =	vsel vm5, v24, v16;
	v1 =	vsel vm2, v13, v1;
	v20 =	vld.idx.msk [tilespmem:v12+s22+$0x0 ss:$0x1], $0xffff  }
0x2e: {  	v8 =	vsel vm4, s18, v8;
	vm0 =	vgt.f32 v22, v14  }
0x2f: {  	v13 =	vnsel vm4, s18, v11;
	v11 =	vmovc v8;
	s18 =	smov.u32 s23;
	v23 =	vsel vm0, v14, v22;
	v14 =	vsel vm0, v22, v14  }
0x30: {  	v22 =	vsel vm3, v6, v13;
	v6 =	vsel vm3, v13, v6;
	vm2 =	vgt.f32 v23, v15  }
0x31: {  	v13 =	vsel vm5, v7, v22;
	v24 =	vsel vm2, v15, v23;
	v15 =	vsel vm2, v23, v15  }
.Ltmp0:
0x32: {  	v26 =	vsel vm0, v2, v13;
	v2 =	vsel vm0, v13, v2;
	vm1 =	vgt.f32 v24, v18;
	(pc) =	sbr.rel @p0 .LBB2_3-.Ltmp0, $4  }
0x33: {  	v7 =	vsel vm5, v22, v7;
	v22 =	vsel vm1, v18, v24;
	vm4 =	vgt.f32 v20, v19  }
0x34: {  	v5 =	vsel vm2, v26, v5;
	vm0 =	vgt.f32 v22, v21;
	v25 =	vsel vm4, v19, v20  }
0x35: {  	v18 =	vsel vm1, v24, v18;
	v23 =	vsel vm0, v21, v22;
	vm3 =	vgt.f32 v25, v17  }
0x36: {  	s21 =	sadd.s32 $0x100, s21;
	v13 =	vsel vm2, v9, v26;
	v9 =	vmovc v5;
	vm2 =	vgt.f32 v23, v10;
	v24 =	vsel vm3, v17, v25  }
0x37: {  	v12 =	vsel vm4, v20, v19;
	vm10 =	vgt.f32 v24, v16;
	v17 =	vsel vm3, v25, v17  }
0x38: {  	v21 =	vsel vm0, v22, v21;
	v10 =	vsel vm2, v23, v10;
	v20 =	vsub.f32 v12, v12  }
0x39: {  	v63 =	vsel vm10, v16, v24;
	v17 =	vsub.f32 v17, v12;
	v26 =	vsel vm10, v24, v16  }
0x3a: {  	vm7 =	vgt.f32 v63, v14;
	v16 =	vsub.f32 v26, v12;
	v20 =	vmul.f32 $1.442695020e+00, v20  }
0x3b: {  	v25 =	vsel vm7, v14, v63;
	v17 =	vmul.f32 $1.442695020e+00, v17;
	v28 =	vsel vm7, v63, v14  }
0x3c: {  	vm8 =	vgt.f32 v25, v15;
	v14 =	vsub.f32 v28, v12;
	(erf) = vpow2.f32 v20  }
0x3d: {  	v16 =	vmul.f32 $1.442695020e+00, v16;
	v27 =	vsel vm8, v15, v25;
	(erf) = vpow2.f32 v17  }
0x3e: {  	v30 =	vsel vm8, v25, v15;
	vm6 =	vgt.f32 v27, v18;
	v14 =	vmul.f32 $1.442695020e+00, v14  }
0x3f: {  	v15 =	vsub.f32 v30, v12;
	v29 =	vsel vm6, v18, v27;
	(erf) = vpow2.f32 v16  }
0x40: {  	v31 =	vsel vm6, v27, v18;
	vm5 =	vgt.f32 v29, v21;
	(erf) = vpow2.f32 v14  }
0x41: {  	v33 =	vmul.f32 $1.442695020e+00, v15;
	v34 =	vsub.f32 v31, v12;
	v32 =	vsel vm5, v21, v29  }
0x42: {  	v35 =	vsel vm5, v29, v21;
	vm9 =	vgt.f32 v32, v10  }
0x43: {  	(erf) = vpow2.f32 v33;
	v36 =	vmul.f32 $1.442695020e+00, v34;
	v37 =	vsub.f32 v35, v12  }
0x44: {  	v10 =	vsel vm9, v32, v10  }
0x45: {  	v39 =	vmul.f32 $1.442695020e+00, v37;
	v10 =	vsub.f32 v10, v12;
	v38 =	vpop (erf);
	(erf) = vpow2.f32 v36  }
0x46: {  	v40 =	vpop (erf)  }
0x47: {  	v10 =	vmul.f32 $1.442695020e+00, v10;
	(erf) = vpow2.f32 v39;
	v41 =	vadd.f32 v40, v38  }
0x48: {  	v42 =	vpop (erf)  }
0x49: {  	(erf) = vpow2.f32 v10;
	v43 =	vadd.f32 v42, v41  }
0x4a: {  	v44 =	vpop (erf)  }
0x4b: {  	v10 =	vadd.f32 v44, v43  }
0x4c: {  	v45 =	vpop (erf)  }
0x4d: {  	v10 =	vadd.f32 v45, v10  }
0x4e: {  	v46 =	vpop (erf)  }
0x4f: {  	v10 =	vadd.f32 v46, v10  }
0x50: {  	v47 =	vpop (erf)  }
0x51: {  	v10 =	vadd.f32 v47, v10  }
0x52: {  	v48 =	vpop (erf)  }
0x53: {  	v10 =	vadd.f32 v48, v10;
	_ =	sdelay $0x1  }
0x54: {  	(erf) = vrcp.f32 v10;
	_ =	sdelay $0x8  }
0x55: {  	v10 =	vpop (erf)  }
0x56: {  	v8 =	vsel vm4, s18, v8;
	s16 =	sor.u32 s16, s17;
	v16 =	vmul.f32 v10, v38  }
0x57: {  	v11 =	vnsel vm4, s18, v11;
	s22 =	sor.u32 s14, s17;
	[tilespmem:s16+$0x4000] =	vst v8  }
0x58: {  	v49 =	vsel vm3, v11, v6;
	s23 =	sor.u32 $0x80, s22;
	v12 =	vmul.f32 v10, v40;
	[tilespmem:s16+$0x4800] =	vst v16  }
0x59: {  	v50 =	vsel vm3, v6, v11;
	[tilespmem:s23+$0x4000] =	vst v49  }
0x5a: {  	s24 =	sor.u32 $0x4100, s16;
	v51 =	vsel vm10, v50, v7;
	v52 =	vmul.f32 v10, v42;
	[tilespmem:s23+$0x4800] =	vst v12  }
0x5b: {  	s25 =	sor.u32 $0x4900, s16;
	v6 =	vsel vm10, v7, v50;
	[tilespmem:s24+$0x0] =	vst v51  }
0x5c: {  	s26 =	sor.u32 $0x180, s22;
	v7 =	vsel vm7, v6, v2;
	v53 =	vmul.f32 v10, v44;
	[tilespmem:s25+$0x0] =	vst v52  }
0x5d: {  	v54 =	vsel vm7, v2, v6;
	[tilespmem:s26+$0x4000] =	vst v7  }
0x5e: {  	s28 =	sor.u32 $0x4200, s16;
	v5 =	vsel vm8, v54, v5;
	v55 =	vmul.f32 v10, v45;
	[tilespmem:s26+$0x4800] =	vst v53  }
0x5f: {  	v56 =	vsel vm1, v13, v0;
	s29 =	sor.u32 $0x4A00, s16;
	v2 =	vsel vm8, v9, v54;
	[tilespmem:s28+$0x0] =	vst v5  }
0x60: {  	v57 =	vsel vm1, v0, v13;
	s13 =	sadd.s32 $0x1, s13;
	s17 =	sor.u32 $0x280, s22;
	v58 =	vsel vm6, v2, v56;
	v59 =	vmul.f32 v10, v46;
	[tilespmem:s29+$0x0] =	vst v55  }
0x61: {  	v4 =	vsel vm0, v57, v4;
	p0 =	sne.s32 s13, $0x10;
	v2 =	vsel vm6, v56, v2;
	[tilespmem:s17+$0x4000] =	vst v58  }
.Ltmp1:
0x62: {  	v0 =	vsel vm0, v3, v57;
	s30 =	sor.u32 $0x4300, s16;
	v60 =	vsel vm5, v2, v4;
	v61 =	vmul.f32 v10, v47;
	[tilespmem:s17+$0x4800] =	vst v59;
	(pc) =	sbr.rel @p0 .LBB2_2-.Ltmp1, $4  }
0x63: {  	s31 =	sor.u32 s15, s14;
	v0 =	vsel vm2, v0, v1;
	v62 =	vsel vm5, v4, v2;
	s16 =	sor.u32 $0x4B00, s16;
	[tilespmem:s30+$0x0] =	vst v60  }
0x64: {  	s14 =	sor.u32 $0x380, s31;
	v0 =	vsel vm9, v62, v0;
	v63 =	vmul.f32 v10, v48;
	[tilespmem:s16+$0x0] =	vst v61  }
0x65: {  	[tilespmem:s14+$0x4000] =	vst v0  }
0x66: {  	[tilespmem:s14+$0x4800] =	vst v63  }
0x67: {  	[hbm4b:s4+s2] =	stream.linear.scatter [tilespmem:s10], [sflag:$0x1], $0x800, $0x38;
	[tilespmem:$0x5000] =	vst v63  }
0x68: {  	s12 =	sadd.s32 $0x1, s12;
	_ =	swait.ge [sflag:s9], $0x800  }
0x69: {  	p0 =	sne.s32 s12, s6;
	[sflag:s9] =	ssyncset.done $0x0  }
.Ltmp2:
0x6a: {  	[sflag:s9] =	ssyncadd.s32 $0xFFFFF800;
	(pc) =	sbr.rel @p0 .LBB2_1-.Ltmp2, $4  }
0x6b: {  	[hbm4b:s5+s2] =	stream.linear.scatter [tilespmem:s11], [sflag:$0x1], $0x800, $0x38;
	[tilespmem:$0x5000] =	vst v63  }
0x6c: {  	_ =	swait.ge [sflag:s9], $0x800  }
0x6d: {  	[sflag:s9] =	ssyncset.done $0x0  }
0x6e: {  	[sflag:s9] =	ssyncadd.s32 $0xFFFFF800  }
0x6f: {  	_ =	sfence.sel $0x180000  }
0x70: {  	[bflag:$0x0] =	sbarrier.arrive $0xFFFF  }
0x71: {  	p0 =	sne.s32 s1, $0x0;
	_ =	strace $0x90000047  }
0x72: {  	s0 =	sadd.s32 @!p0 $0x100000, s0;
	[bflag:$0x2] =	sbarrier.arrive $0xFFFF  }
0x73: {  	[sflag:s0] =	ssyncadd.tile.s32 @!p0 $0x1;
	_ =	shalt  }
.Lfunc_end2:
_tile_overlayer_lowered:
.L_overlay_start_2:
0x74: {  	(tag) =	ssettag $0x2  }
0x75: {  	s0 =	rddreg [dreg:$0x0];
	s2 =	stileid.u32  }
0x76: {  	s1 =	rddreg [dreg:$0x1];
	p0 =	sne.s32 s2, $0x0  }
0x77: {  	s3 =	rddreg [dreg:$0x2];
	[bflag:$0x3] =	sbarrier.arrive $0xFFFF;
	s2 =	simm.s32 @!p0 $0x1C01  }
0x78: {  	[timem:s3], [sflag:s2] =	dma.local @!p0 [hbm:s0], s1  }
0x79: {  	s0 =	simm.s32 @!p0 $0x1  }
0x7a: {  	_ =	swait.ge @!p0 [sflag:s0], s1  }
0x7b: {  	s1 =	ssub.s32 @!p0 $0x0, s1;
	[sflag:s0] =	ssyncset.done @!p0 $0x0  }
0x7c: {  	[sflag:s0] =	ssyncadd.s32 @!p0 s1  }
0x7d: {  	[bflag:$0x3] =	sbarrier.arrive $0xFFFF  }
0x7e: {  	_ =	shalt  }

</sc_bundles>
